<compile_context>
chip_gen: v7x
topology: tpu7x:2x2x1
jax: 0.10.2.dev20260603
libtpu: 0.0.44.dev20260713+nightly
codegen_flags: <defaults>
</compile_context>

<pallas_src>
import functools

import jax
import jax.numpy as jnp
from jax import lax
from jax.experimental import pallas as pl
from jax.experimental.pallas import tpu as pltpu
from jax.experimental.pallas import tpu_sc as plsc

N_NODES = 10000
D = 128
N_EDGES = 320000

NC = 2
NS = 16
NW = NC * NS
K = 64
NCHUNK = 160
EDGES_PER_W = NCHUNK * K
E_PAD = NW * EDGES_PER_W
ROWS_PER_TILE = 632
NP = NS * ROWS_PER_TILE
IDXBLK = 16
N_OUTER = NCHUNK // IDXBLK

ROW_BLK = 1000
N_BLK = N_NODES // ROW_BLK


def _make_sc_agg():
  mesh = plsc.VectorSubcoreMesh(core_axis_name="c", subcore_axis_name="s")

  def body(table, src3, dst3, zrows, pout,
           acc, srcv, dstv, rows0, rows1, sem0, sem1):
    c = lax.axis_index("c")
    s = lax.axis_index("s")
    wid = c * NS + s
    stripe = pl.ds(s * ROWS_PER_TILE, ROWS_PER_TILE)

    pltpu.sync_copy(zrows.at[stripe], acc.at[stripe])
    plsc.subcore_barrier()

    def outer(o, carry):
      row0 = wid * NCHUNK + o * IDXBLK
      pltpu.sync_copy(src3.at[pl.ds(row0, IDXBLK)], srcv)
      pltpu.sync_copy(dst3.at[pl.ds(row0, IDXBLK)], dstv)

      def step(t, inner_carry):
        j0 = 2 * t
        j1 = j0 + 1
        g0 = pltpu.async_copy(table.at[srcv.at[j0]], rows0, sem0)
        g1 = pltpu.async_copy(table.at[srcv.at[j1]], rows1, sem1)
        g0.wait()
        pltpu.sync_copy(rows0, acc.at[dstv.at[j0]], add=True)
        g1.wait()
        pltpu.sync_copy(rows1, acc.at[dstv.at[j1]], add=True)
        return inner_carry

      return lax.fori_loop(0, IDXBLK // 2, step, carry)

    lax.fori_loop(0, N_OUTER, outer, 0)
    plsc.subcore_barrier()

    pltpu.sync_copy(acc.at[stripe],
                    pout.at[pl.ds(c * NP + s * ROWS_PER_TILE, ROWS_PER_TILE)])

  return pl.kernel(
      body,
      out_type=[jax.ShapeDtypeStruct((2 * NP, D), jnp.float32)],
      mesh=mesh,
      scratch_types=[
          pltpu.VMEM_SHARED((NP, D), jnp.float32),
          pltpu.VMEM((IDXBLK, K), jnp.int32),
          pltpu.VMEM((IDXBLK, K), jnp.int32),
          pltpu.VMEM((K, D), jnp.float32),
          pltpu.VMEM((K, D), jnp.float32),
          pltpu.SemaphoreType.DMA,
          pltpu.SemaphoreType.DMA,
      ])


def _make_sc_cnt():
  mesh = plsc.VectorSubcoreMesh(core_axis_name="c", subcore_axis_name="s")

  def body(dst3, zrows, ones, cout, cacc, dstv, onesv):
    c = lax.axis_index("c")
    s = lax.axis_index("s")
    wid = c * NS + s
    stripe = pl.ds(s * ROWS_PER_TILE, ROWS_PER_TILE)

    pltpu.sync_copy(zrows.at[stripe], cacc.at[stripe])
    pltpu.sync_copy(ones, onesv)
    plsc.subcore_barrier()

    def outer(o, carry):
      row0 = wid * NCHUNK + o * IDXBLK
      pltpu.sync_copy(dst3.at[pl.ds(row0, IDXBLK)], dstv)

      def step(j, inner_carry):
        pltpu.sync_copy(onesv, cacc.at[dstv.at[j]], add=True)
        return inner_carry

      return lax.fori_loop(0, IDXBLK, step, carry)

    lax.fori_loop(0, N_OUTER, outer, 0)
    plsc.subcore_barrier()

    pltpu.sync_copy(cacc.at[stripe],
                    cout.at[pl.ds(c * NP + s * ROWS_PER_TILE, ROWS_PER_TILE)])

  return pl.kernel(
      body,
      out_type=[jax.ShapeDtypeStruct((2 * NP, D), jnp.float32)],
      mesh=mesh,
      scratch_types=[
          pltpu.VMEM_SHARED((NP, D), jnp.float32),
          pltpu.VMEM((IDXBLK, K), jnp.int32),
          pltpu.VMEM((K, D), jnp.float32),
      ])


def _tc_dense_body(relu, p0, p1, c0, c1, x, wl, wr, bl, o):
  cnt = c0[:, :1] + c1[:, :1]
  mean = (p0[...] + p1[...]) / jnp.maximum(cnt, 1.0)
  acc = lax.dot_general(mean, wl[...], (((1,), (1,)), ((), ())),
                        preferred_element_type=jnp.float32)
  acc = acc + lax.dot_general(x[...], wr[...], (((1,), (1,)), ((), ())),
                              preferred_element_type=jnp.float32)
  acc = acc + bl[...]
  if relu:
    acc = jnp.maximum(acc, 0.0)
  o[...] = acc


def _make_tc_dense(relu: bool, interpret: bool = False):
  row = lambda i: (i, 0)
  fixed = lambda i: (0, 0)
  return pl.pallas_call(
      functools.partial(_tc_dense_body, relu),
      grid=(N_BLK,),
      in_specs=[
          pl.BlockSpec((ROW_BLK, D), row),
          pl.BlockSpec((ROW_BLK, D), row),
          pl.BlockSpec((ROW_BLK, D), row),
          pl.BlockSpec((ROW_BLK, D), row),
          pl.BlockSpec((ROW_BLK, D), row),
          pl.BlockSpec((D, D), fixed),
          pl.BlockSpec((D, D), fixed),
          pl.BlockSpec((1, D), fixed),
      ],
      out_specs=pl.BlockSpec((ROW_BLK, D), row),
      out_shape=jax.ShapeDtypeStruct((N_NODES, D), jnp.float32),
      interpret=interpret,
  )


_sc_agg_cache = functools.cache(_make_sc_agg)
_sc_cnt_cache = functools.cache(_make_sc_cnt)
_dense_relu = _make_tc_dense(relu=True)
_dense_lin = _make_tc_dense(relu=False)


def kernel(x, edge_index, Wl1, bl1, Wr1, Wl2, bl2, Wr2):
  src = edge_index[0].astype(jnp.int32)
  dst = edge_index[1].astype(jnp.int32)
  pad = E_PAD - N_EDGES
  src3 = jnp.concatenate([src, jnp.zeros((pad,), jnp.int32)]).reshape(NW * NCHUNK, K)
  dst3 = jnp.concatenate(
      [dst, N_NODES + (jnp.arange(pad, dtype=jnp.int32) % 16)]
  ).reshape(NW * NCHUNK, K)
  zrows = jnp.zeros((NP, D), jnp.float32)
  ones = jnp.ones((K, D), jnp.float32)

  (cnt,) = _sc_cnt_cache()(dst3, zrows, ones)
  (pout,) = _sc_agg_cache()(x, src3, dst3, zrows)
  c0 = cnt[:N_NODES]
  c1 = cnt[NP:NP + N_NODES]
  h = _dense_relu(pout[:N_NODES], pout[NP:NP + N_NODES], c0, c1, x,
                  Wl1, Wr1, bl1.reshape(1, D))
  (qout,) = _sc_agg_cache()(h, src3, dst3, zrows)
  out = _dense_lin(qout[:N_NODES], qout[NP:NP + N_NODES], c0, c1, h,
                   Wl2, Wr2, bl2.reshape(1, D))
  return out

# --- scband reference (transcript-rebuilt; emitter-appended) ---
"""Pipeline reference for scband-my-graph-model-83820581748942 (READ-ONLY COPY).

The authoritative reference and input builder live on the scoring server;
editing this copy changes nothing except your own understanding.
"""

import jax, jax.numpy as jnp
import numpy as np

N_NODES = 10000
N_EDGES = 320000
D_IN = 128
D_HID = 128
D_OUT = 128


def setup_inputs(seed: int = 0) -> dict:
    key = jax.random.key(seed)
    ks = jax.random.split(key, 8)
    x = jax.random.normal(ks[0], (N_NODES, D_IN), dtype=jnp.float32)
    edge_index = jax.random.randint(ks[1], (2, N_EDGES), 0, N_NODES, dtype=jnp.int64)
    s = 1.0 / np.sqrt(D_IN)
    Wl1 = jax.random.uniform(ks[2], (D_HID, D_IN), minval=-s, maxval=s, dtype=jnp.float32)
    bl1 = jax.random.uniform(ks[3], (D_HID,), minval=-s, maxval=s, dtype=jnp.float32)
    Wr1 = jax.random.uniform(ks[4], (D_HID, D_IN), minval=-s, maxval=s, dtype=jnp.float32)
    s2 = 1.0 / np.sqrt(D_HID)
    Wl2 = jax.random.uniform(ks[5], (D_OUT, D_HID), minval=-s2, maxval=s2, dtype=jnp.float32)
    bl2 = jax.random.uniform(ks[6], (D_OUT,), minval=-s2, maxval=s2, dtype=jnp.float32)
    Wr2 = jax.random.uniform(ks[7], (D_OUT, D_HID), minval=-s2, maxval=s2, dtype=jnp.float32)
    return {"x": x, "edge_index": edge_index, "Wl1": Wl1, "bl1": bl1, "Wr1": Wr1,
            "Wl2": Wl2, "bl2": bl2, "Wr2": Wr2}


def _sage_conv(x, edge_index, Wl, bl, Wr):
    # PyG SAGEConv with mean aggregation:
    # out_i = Wl @ mean_{j in N(i)} x_j + bl + Wr @ x_i
    src = edge_index[0]
    dst = edge_index[1]
    msg = jnp.take(x, src, axis=0)
    agg = jax.ops.segment_sum(msg, dst, num_segments=N_NODES)
    cnt = jax.ops.segment_sum(jnp.ones((msg.shape[0],), dtype=x.dtype), dst, num_segments=N_NODES)
    mean = agg / jnp.clip(cnt, 1.0, None)[:, None]
    return mean @ Wl.T + bl + x @ Wr.T


def reference(x, edge_index, Wl1, bl1, Wr1, Wl2, bl2, Wr2):
    h = _sage_conv(x, edge_index, Wl1, bl1, Wr1)
    h = jax.nn.relu(h)
    # dropout is identity in eval mode
    out = _sage_conv(h, edge_index, Wl2, bl2, Wr2)
    return out

if __name__ == "__main__":
    import jax
    _d = setup_inputs()
    print(jax.jit(kernel)(*tuple(_d.values())))

</pallas_src>

<mosaic_0001>
#map = affine_map<(d0, d1) -> (0, 0)>
module attributes {stable_mosaic.version = 14 : i64} {
  func.func @body(%arg0: i32, %arg1: i32, %arg2: memref<5120x64xi32, #tpu.memory_space<hbm>>, %arg3: memref<10112x128xf32, #tpu.memory_space<hbm>>, %arg4: memref<64x128xf32, #tpu.memory_space<hbm>>, %arg5: memref<20224x128xf32, #tpu.memory_space<hbm>>, %arg6: memref<10112x128xf32, #tpu.memory_space<vmem_shared>>, %arg7: memref<16x64xi32, #tpu.memory_space<vmem>>, %arg8: memref<64x128xf32, #tpu.memory_space<vmem>>) attributes {dimension_semantics = [#tpu.dimension_semantics<core_parallel>, #tpu.dimension_semantics<subcore_parallel>], iteration_bounds = array<i64: 2, 16>, scalar_prefetch = 0 : i64, scratch_operands = 3 : i64, tpu.core_type = #tpu.core_type<sc_vector_subcore>, window_params = [{transform_indices = #map}, {transform_indices = #map}, {transform_indices = #map}, {transform_indices = #map}]} {
    %mul3A = arith.constant 16 : i32
    %mul3A_0 = arith.muli %arg0, %mul3A : i32
    %add3A = arith.addi %mul3A_0, %arg1 : i32
    %mul3A_1 = arith.constant 632 : i32
    %mul3A_2 = arith.muli %arg1, %mul3A_1 : i32
    "tpu.region"() ({
      %run_scoped3A = tpu.sem_alloc : memref<!tpu.dma_semaphore, #tpu.memory_space<semaphore_mem>>
      %dma_start3A = arith.constant 0 : i32
      %dma_start3A_14 = tpu.memref_slice %arg6[%mul3A_2, %dma_start3A] : memref<10112x128xf32, #tpu.memory_space<vmem_shared>> -> memref<632x128xf32, #tpu.memory_space<vmem_shared>>
      %dma_start3A_15 = arith.constant 0 : i32
      %dma_start3A_16 = tpu.memref_slice %arg3[%mul3A_2, %dma_start3A_15] : memref<10112x128xf32, #tpu.memory_space<hbm>> -> memref<632x128xf32, #tpu.memory_space<hbm>>
      tpu.enqueue_dma source(%dma_start3A_16 : memref<632x128xf32, #tpu.memory_space<hbm>>) target(%dma_start3A_14 : memref<632x128xf32, #tpu.memory_space<vmem_shared>>) target_semaphore(%run_scoped3A : memref<!tpu.dma_semaphore, #tpu.memory_space<semaphore_mem>>)
      %dma_wait3A = arith.constant 0 : i32
      %dma_wait3A_17 = tpu.memref_slice %arg6[%mul3A_2, %dma_wait3A] : memref<10112x128xf32, #tpu.memory_space<vmem_shared>> -> memref<632x128xf32, #tpu.memory_space<vmem_shared>>
      %dma_wait3A_18 = arith.constant 0 : i32
      %dma_wait3A_19 = tpu.memref_slice %arg3[%mul3A_2, %dma_wait3A_18] : memref<10112x128xf32, #tpu.memory_space<hbm>> -> memref<632x128xf32, #tpu.memory_space<hbm>>
      tpu.wait_dma2 semaphore(%run_scoped3A : memref<!tpu.dma_semaphore, #tpu.memory_space<semaphore_mem>>) src(%dma_wait3A_19 : memref<632x128xf32, #tpu.memory_space<hbm>>) dst(%dma_wait3A_17 : memref<632x128xf32, #tpu.memory_space<vmem_shared>>)
      tpu.yield
    }) : () -> ()
    "tpu.region"() ({
      %run_scoped3A = tpu.sem_alloc : memref<!tpu.dma_semaphore, #tpu.memory_space<semaphore_mem>>
      tpu.enqueue_dma source(%arg4 : memref<64x128xf32, #tpu.memory_space<hbm>>) target(%arg8 : memref<64x128xf32, #tpu.memory_space<vmem>>) target_semaphore(%run_scoped3A : memref<!tpu.dma_semaphore, #tpu.memory_space<semaphore_mem>>)
      tpu.wait_dma2 semaphore(%run_scoped3A : memref<!tpu.dma_semaphore, #tpu.memory_space<semaphore_mem>>) src(%arg4 : memref<64x128xf32, #tpu.memory_space<hbm>>) dst(%arg8 : memref<64x128xf32, #tpu.memory_space<vmem>>)
      tpu.yield
    }) : () -> ()
    %barrier3A = arith.constant 0 : index
    tpu.barrier barrier_id(%barrier3A)
    %scan3A = arith.constant 0 : i32
    %scan3A_3 = arith.constant 0 : i32
    %scan3A_4 = arith.constant 10 : i32
    %scan3A_5 = arith.addi %scan3A_3, %scan3A_4 : i32
    %scan3A_6 = arith.constant 1 : i32
    scf.for %scan3A_14 = %scan3A_3 to %scan3A_5 step %scan3A_6  : i32 {
      %mul3A_15 = arith.constant 160 : i32
      %mul3A_16 = arith.muli %add3A, %mul3A_15 : i32
      %mul3A_17 = arith.constant 16 : i32
      %mul3A_18 = arith.muli %scan3A_14, %mul3A_17 : i32
      %add3A_19 = arith.addi %mul3A_16, %mul3A_18 : i32
      "tpu.region"() ({
        %run_scoped3A = tpu.sem_alloc : memref<!tpu.dma_semaphore, #tpu.memory_space<semaphore_mem>>
        %dma_start3A = arith.constant 0 : i32
        %dma_start3A_25 = tpu.memref_slice %arg2[%add3A_19, %dma_start3A] : memref<5120x64xi32, #tpu.memory_space<hbm>> -> memref<16x64xi32, #tpu.memory_space<hbm>>
        %dma_start3A_26 = arith.constant 0 : i32
        %dma_start3A_27 = tpu.memref_slice %arg2[%add3A_19, %dma_start3A_26] : memref<5120x64xi32, #tpu.memory_space<hbm>> -> memref<16x64xi32, #tpu.memory_space<hbm>>
        tpu.enqueue_dma source(%dma_start3A_27 : memref<16x64xi32, #tpu.memory_space<hbm>>) target(%arg7 : memref<16x64xi32, #tpu.memory_space<vmem>>) target_semaphore(%run_scoped3A : memref<!tpu.dma_semaphore, #tpu.memory_space<semaphore_mem>>)
        %dma_wait3A = arith.constant 0 : i32
        %dma_wait3A_28 = tpu.memref_slice %arg2[%add3A_19, %dma_wait3A] : memref<5120x64xi32, #tpu.memory_space<hbm>> -> memref<16x64xi32, #tpu.memory_space<hbm>>
        %dma_wait3A_29 = arith.constant 0 : i32
        %dma_wait3A_30 = tpu.memref_slice %arg2[%add3A_19, %dma_wait3A_29] : memref<5120x64xi32, #tpu.memory_space<hbm>> -> memref<16x64xi32, #tpu.memory_space<hbm>>
        tpu.wait_dma2 semaphore(%run_scoped3A : memref<!tpu.dma_semaphore, #tpu.memory_space<semaphore_mem>>) src(%dma_wait3A_30 : memref<16x64xi32, #tpu.memory_space<hbm>>) dst(%arg7 : memref<16x64xi32, #tpu.memory_space<vmem>>)
        tpu.yield
      }) : () -> ()
      %scan3A_20 = arith.constant 0 : i32
      %scan3A_21 = arith.constant 16 : i32
      %scan3A_22 = arith.addi %scan3A_20, %scan3A_21 : i32
      %scan3A_23 = arith.constant 1 : i32
      scf.for %scan3A_25 = %scan3A_20 to %scan3A_22 step %scan3A_23  : i32 {
        "tpu.region"() ({
          %run_scoped3A = tpu.sem_alloc : memref<!tpu.dma_semaphore, #tpu.memory_space<semaphore_mem>>
          %dma_start3A = arith.constant 0 : i32
          %dma_start3A_26 = tpu.memref_slice %arg7[%scan3A_25, %dma_start3A] : memref<16x64xi32, #tpu.memory_space<vmem>> -> memref<1x64xi32, #tpu.memory_space<vmem>>
          %dma_start3A_27 = tpu.memref_squeeze %dma_start3A_26 : memref<1x64xi32, #tpu.memory_space<vmem>> -> memref<64xi32, #tpu.memory_space<vmem>>
          %dma_start3A_28 = arith.constant 0 : i32
          %dma_start3A_29 = arith.constant 0 : i32
          %dma_start3A_30 = tpu.memref_slice %arg6[%dma_start3A_28, %dma_start3A_29] : memref<10112x128xf32, #tpu.memory_space<vmem_shared>> -> memref<10112x128xf32, #tpu.memory_space<vmem_shared>>
          tpu.enqueue_indirect_dma source(%arg8 : memref<64x128xf32, #tpu.memory_space<vmem>>) target(%dma_start3A_30 : memref<10112x128xf32, #tpu.memory_space<vmem_shared>>) offsets(%dma_start3A_27 : memref<64xi32, #tpu.memory_space<vmem>>) semaphore(%run_scoped3A : memref<!tpu.dma_semaphore, #tpu.memory_space<semaphore_mem>>) {add = true}
          %dma_wait3A = arith.constant 0 : i32
          %dma_wait3A_31 = tpu.memref_slice %arg7[%scan3A_25, %dma_wait3A] : memref<16x64xi32, #tpu.memory_space<vmem>> -> memref<1x64xi32, #tpu.memory_space<vmem>>
          %dma_wait3A_32 = tpu.memref_squeeze %dma_wait3A_31 : memref<1x64xi32, #tpu.memory_space<vmem>> -> memref<64xi32, #tpu.memory_space<vmem>>
          %dma_wait3A_33 = arith.constant 0 : i32
          %dma_wait3A_34 = arith.constant 0 : i32
          %dma_wait3A_35 = tpu.memref_slice %arg6[%dma_wait3A_33, %dma_wait3A_34] : memref<10112x128xf32, #tpu.memory_space<vmem_shared>> -> memref<10112x128xf32, #tpu.memory_space<vmem_shared>>
          tpu.wait_indirect_dma semaphore(%run_scoped3A : memref<!tpu.dma_semaphore, #tpu.memory_space<semaphore_mem>>) src(%arg8 : memref<64x128xf32, #tpu.memory_space<vmem>>) dst(%dma_wait3A_35 : memref<10112x128xf32, #tpu.memory_space<vmem_shared>>)
          tpu.yield
        }) : () -> ()
      }
      %scan3A_24 = arith.constant 16 : i32
    }
    %scan3A_7 = arith.constant 10 : i32
    %barrier3A_8 = arith.constant 0 : index
    tpu.barrier barrier_id(%barrier3A_8)
    %mul3A_9 = arith.constant 10112 : i32
    %mul3A_10 = arith.muli %arg0, %mul3A_9 : i32
    %mul3A_11 = arith.constant 632 : i32
    %mul3A_12 = arith.muli %arg1, %mul3A_11 : i32
    %add3A_13 = arith.addi %mul3A_10, %mul3A_12 : i32
    "tpu.region"() ({
      %run_scoped3A = tpu.sem_alloc : memref<!tpu.dma_semaphore, #tpu.memory_space<semaphore_mem>>
      %dma_start3A = arith.constant 0 : i32
      %dma_start3A_14 = tpu.memref_slice %arg5[%add3A_13, %dma_start3A] : memref<20224x128xf32, #tpu.memory_space<hbm>> -> memref<632x128xf32, #tpu.memory_space<hbm>>
      %dma_start3A_15 = arith.constant 0 : i32
      %dma_start3A_16 = tpu.memref_slice %arg6[%mul3A_2, %dma_start3A_15] : memref<10112x128xf32, #tpu.memory_space<vmem_shared>> -> memref<632x128xf32, #tpu.memory_space<vmem_shared>>
      tpu.enqueue_dma source(%dma_start3A_16 : memref<632x128xf32, #tpu.memory_space<vmem_shared>>) target(%dma_start3A_14 : memref<632x128xf32, #tpu.memory_space<hbm>>) target_semaphore(%run_scoped3A : memref<!tpu.dma_semaphore, #tpu.memory_space<semaphore_mem>>)
      %dma_wait3A = arith.constant 0 : i32
      %dma_wait3A_17 = tpu.memref_slice %arg5[%add3A_13, %dma_wait3A] : memref<20224x128xf32, #tpu.memory_space<hbm>> -> memref<632x128xf32, #tpu.memory_space<hbm>>
      %dma_wait3A_18 = arith.constant 0 : i32
      %dma_wait3A_19 = tpu.memref_slice %arg6[%mul3A_2, %dma_wait3A_18] : memref<10112x128xf32, #tpu.memory_space<vmem_shared>> -> memref<632x128xf32, #tpu.memory_space<vmem_shared>>
      tpu.wait_dma2 semaphore(%run_scoped3A : memref<!tpu.dma_semaphore, #tpu.memory_space<semaphore_mem>>) src(%dma_wait3A_19 : memref<632x128xf32, #tpu.memory_space<vmem_shared>>) dst(%dma_wait3A_17 : memref<632x128xf32, #tpu.memory_space<hbm>>)
      tpu.yield
    }) : () -> ()
    return
  }
}

#map = affine_map<(d0, d1) -> (0, 0)>
module attributes {stable_mosaic.version = 14 : i64} {
  func.func @body(%arg0: i32, %arg1: i32, %arg2: memref<10000x128xf32, #tpu.memory_space<hbm>>, %arg3: memref<5120x64xi32, #tpu.memory_space<hbm>>, %arg4: memref<5120x64xi32, #tpu.memory_space<hbm>>, %arg5: memref<10112x128xf32, #tpu.memory_space<hbm>>, %arg6: memref<20224x128xf32, #tpu.memory_space<hbm>>, %arg7: memref<10112x128xf32, #tpu.memory_space<vmem_shared>>, %arg8: memref<16x64xi32, #tpu.memory_space<vmem>>, %arg9: memref<16x64xi32, #tpu.memory_space<vmem>>, %arg10: memref<64x128xf32, #tpu.memory_space<vmem>>, %arg11: memref<64x128xf32, #tpu.memory_space<vmem>>, %arg12: memref<!tpu.dma_semaphore, #tpu.memory_space<semaphore_mem>>, %arg13: memref<!tpu.dma_semaphore, #tpu.memory_space<semaphore_mem>>) attributes {dimension_semantics = [#tpu.dimension_semantics<core_parallel>, #tpu.dimension_semantics<subcore_parallel>], iteration_bounds = array<i64: 2, 16>, scalar_prefetch = 0 : i64, scratch_operands = 7 : i64, tpu.core_type = #tpu.core_type<sc_vector_subcore>, window_params = [{transform_indices = #map}, {transform_indices = #map}, {transform_indices = #map}, {transform_indices = #map}, {transform_indices = #map}]} {
    %mul3A = arith.constant 16 : i32
    %mul3A_0 = arith.muli %arg0, %mul3A : i32
    %add3A = arith.addi %mul3A_0, %arg1 : i32
    %mul3A_1 = arith.constant 632 : i32
    %mul3A_2 = arith.muli %arg1, %mul3A_1 : i32
    "tpu.region"() ({
      %run_scoped3A = tpu.sem_alloc : memref<!tpu.dma_semaphore, #tpu.memory_space<semaphore_mem>>
      %dma_start3A = arith.constant 0 : i32
      %dma_start3A_14 = tpu.memref_slice %arg7[%mul3A_2, %dma_start3A] : memref<10112x128xf32, #tpu.memory_space<vmem_shared>> -> memref<632x128xf32, #tpu.memory_space<vmem_shared>>
      %dma_start3A_15 = arith.constant 0 : i32
      %dma_start3A_16 = tpu.memref_slice %arg5[%mul3A_2, %dma_start3A_15] : memref<10112x128xf32, #tpu.memory_space<hbm>> -> memref<632x128xf32, #tpu.memory_space<hbm>>
      tpu.enqueue_dma source(%dma_start3A_16 : memref<632x128xf32, #tpu.memory_space<hbm>>) target(%dma_start3A_14 : memref<632x128xf32, #tpu.memory_space<vmem_shared>>) target_semaphore(%run_scoped3A : memref<!tpu.dma_semaphore, #tpu.memory_space<semaphore_mem>>)
      %dma_wait3A = arith.constant 0 : i32
      %dma_wait3A_17 = tpu.memref_slice %arg7[%mul3A_2, %dma_wait3A] : memref<10112x128xf32, #tpu.memory_space<vmem_shared>> -> memref<632x128xf32, #tpu.memory_space<vmem_shared>>
      %dma_wait3A_18 = arith.constant 0 : i32
      %dma_wait3A_19 = tpu.memref_slice %arg5[%mul3A_2, %dma_wait3A_18] : memref<10112x128xf32, #tpu.memory_space<hbm>> -> memref<632x128xf32, #tpu.memory_space<hbm>>
      tpu.wait_dma2 semaphore(%run_scoped3A : memref<!tpu.dma_semaphore, #tpu.memory_space<semaphore_mem>>) src(%dma_wait3A_19 : memref<632x128xf32, #tpu.memory_space<hbm>>) dst(%dma_wait3A_17 : memref<632x128xf32, #tpu.memory_space<vmem_shared>>)
      tpu.yield
    }) : () -> ()
    %barrier3A = arith.constant 0 : index
    tpu.barrier barrier_id(%barrier3A)
    %scan3A = arith.constant 0 : i32
    %scan3A_3 = arith.constant 0 : i32
    %scan3A_4 = arith.constant 10 : i32
    %scan3A_5 = arith.addi %scan3A_3, %scan3A_4 : i32
    %scan3A_6 = arith.constant 1 : i32
    scf.for %scan3A_14 = %scan3A_3 to %scan3A_5 step %scan3A_6  : i32 {
      %mul3A_15 = arith.constant 160 : i32
      %mul3A_16 = arith.muli %add3A, %mul3A_15 : i32
      %mul3A_17 = arith.constant 16 : i32
      %mul3A_18 = arith.muli %scan3A_14, %mul3A_17 : i32
      %add3A_19 = arith.addi %mul3A_16, %mul3A_18 : i32
      "tpu.region"() ({
        %run_scoped3A = tpu.sem_alloc : memref<!tpu.dma_semaphore, #tpu.memory_space<semaphore_mem>>
        %dma_start3A = arith.constant 0 : i32
        %dma_start3A_25 = tpu.memref_slice %arg3[%add3A_19, %dma_start3A] : memref<5120x64xi32, #tpu.memory_space<hbm>> -> memref<16x64xi32, #tpu.memory_space<hbm>>
        %dma_start3A_26 = arith.constant 0 : i32
        %dma_start3A_27 = tpu.memref_slice %arg3[%add3A_19, %dma_start3A_26] : memref<5120x64xi32, #tpu.memory_space<hbm>> -> memref<16x64xi32, #tpu.memory_space<hbm>>
        tpu.enqueue_dma source(%dma_start3A_27 : memref<16x64xi32, #tpu.memory_space<hbm>>) target(%arg8 : memref<16x64xi32, #tpu.memory_space<vmem>>) target_semaphore(%run_scoped3A : memref<!tpu.dma_semaphore, #tpu.memory_space<semaphore_mem>>)
        %dma_wait3A = arith.constant 0 : i32
        %dma_wait3A_28 = tpu.memref_slice %arg3[%add3A_19, %dma_wait3A] : memref<5120x64xi32, #tpu.memory_space<hbm>> -> memref<16x64xi32, #tpu.memory_space<hbm>>
        %dma_wait3A_29 = arith.constant 0 : i32
        %dma_wait3A_30 = tpu.memref_slice %arg3[%add3A_19, %dma_wait3A_29] : memref<5120x64xi32, #tpu.memory_space<hbm>> -> memref<16x64xi32, #tpu.memory_space<hbm>>
        tpu.wait_dma2 semaphore(%run_scoped3A : memref<!tpu.dma_semaphore, #tpu.memory_space<semaphore_mem>>) src(%dma_wait3A_30 : memref<16x64xi32, #tpu.memory_space<hbm>>) dst(%arg8 : memref<16x64xi32, #tpu.memory_space<vmem>>)
        tpu.yield
      }) : () -> ()
      "tpu.region"() ({
        %run_scoped3A = tpu.sem_alloc : memref<!tpu.dma_semaphore, #tpu.memory_space<semaphore_mem>>
        %dma_start3A = arith.constant 0 : i32
        %dma_start3A_25 = tpu.memref_slice %arg4[%add3A_19, %dma_start3A] : memref<5120x64xi32, #tpu.memory_space<hbm>> -> memref<16x64xi32, #tpu.memory_space<hbm>>
        %dma_start3A_26 = arith.constant 0 : i32
        %dma_start3A_27 = tpu.memref_slice %arg4[%add3A_19, %dma_start3A_26] : memref<5120x64xi32, #tpu.memory_space<hbm>> -> memref<16x64xi32, #tpu.memory_space<hbm>>
        tpu.enqueue_dma source(%dma_start3A_27 : memref<16x64xi32, #tpu.memory_space<hbm>>) target(%arg9 : memref<16x64xi32, #tpu.memory_space<vmem>>) target_semaphore(%run_scoped3A : memref<!tpu.dma_semaphore, #tpu.memory_space<semaphore_mem>>)
        %dma_wait3A = arith.constant 0 : i32
        %dma_wait3A_28 = tpu.memref_slice %arg4[%add3A_19, %dma_wait3A] : memref<5120x64xi32, #tpu.memory_space<hbm>> -> memref<16x64xi32, #tpu.memory_space<hbm>>
        %dma_wait3A_29 = arith.constant 0 : i32
        %dma_wait3A_30 = tpu.memref_slice %arg4[%add3A_19, %dma_wait3A_29] : memref<5120x64xi32, #tpu.memory_space<hbm>> -> memref<16x64xi32, #tpu.memory_space<hbm>>
        tpu.wait_dma2 semaphore(%run_scoped3A : memref<!tpu.dma_semaphore, #tpu.memory_space<semaphore_mem>>) src(%dma_wait3A_30 : memref<16x64xi32, #tpu.memory_space<hbm>>) dst(%arg9 : memref<16x64xi32, #tpu.memory_space<vmem>>)
        tpu.yield
      }) : () -> ()
      %scan3A_20 = arith.constant 0 : i32
      %scan3A_21 = arith.constant 8 : i32
      %scan3A_22 = arith.addi %scan3A_20, %scan3A_21 : i32
      %scan3A_23 = arith.constant 1 : i32
      scf.for %scan3A_25 = %scan3A_20 to %scan3A_22 step %scan3A_23  : i32 {
        %mul3A_26 = arith.constant 2 : i32
        %mul3A_27 = arith.muli %mul3A_26, %scan3A_25 : i32
        %add3A_28 = arith.constant 1 : i32
        %add3A_29 = arith.addi %mul3A_27, %add3A_28 : i32
        %dma_start3A = arith.constant 0 : i32
        %dma_start3A_30 = tpu.memref_slice %arg8[%mul3A_27, %dma_start3A] : memref<16x64xi32, #tpu.memory_space<vmem>> -> memref<1x64xi32, #tpu.memory_space<vmem>>
        %dma_start3A_31 = tpu.memref_squeeze %dma_start3A_30 : memref<1x64xi32, #tpu.memory_space<vmem>> -> memref<64xi32, #tpu.memory_space<vmem>>
        %dma_start3A_32 = arith.constant 0 : i32
        %dma_start3A_33 = arith.constant 0 : i32
        %dma_start3A_34 = tpu.memref_slice %arg2[%dma_start3A_32, %dma_start3A_33] : memref<10000x128xf32, #tpu.memory_space<hbm>> -> memref<10000x128xf32, #tpu.memory_space<hbm>>
        tpu.enqueue_indirect_dma source(%dma_start3A_34 : memref<10000x128xf32, #tpu.memory_space<hbm>>) target(%arg10 : memref<64x128xf32, #tpu.memory_space<vmem>>) offsets(%dma_start3A_31 : memref<64xi32, #tpu.memory_space<vmem>>) semaphore(%arg12 : memref<!tpu.dma_semaphore, #tpu.memory_space<semaphore_mem>>)
        %dma_start3A_35 = arith.constant 0 : i32
        %dma_start3A_36 = tpu.memref_slice %arg8[%add3A_29, %dma_start3A_35] : memref<16x64xi32, #tpu.memory_space<vmem>> -> memref<1x64xi32, #tpu.memory_space<vmem>>
        %dma_start3A_37 = tpu.memref_squeeze %dma_start3A_36 : memref<1x64xi32, #tpu.memory_space<vmem>> -> memref<64xi32, #tpu.memory_space<vmem>>
        %dma_start3A_38 = arith.constant 0 : i32
        %dma_start3A_39 = arith.constant 0 : i32
        %dma_start3A_40 = tpu.memref_slice %arg2[%dma_start3A_38, %dma_start3A_39] : memref<10000x128xf32, #tpu.memory_space<hbm>> -> memref<10000x128xf32, #tpu.memory_space<hbm>>
        tpu.enqueue_indirect_dma source(%dma_start3A_40 : memref<10000x128xf32, #tpu.memory_space<hbm>>) target(%arg11 : memref<64x128xf32, #tpu.memory_space<vmem>>) offsets(%dma_start3A_37 : memref<64xi32, #tpu.memory_space<vmem>>) semaphore(%arg13 : memref<!tpu.dma_semaphore, #tpu.memory_space<semaphore_mem>>)
        %dma_wait3A = arith.constant 0 : i32
        %dma_wait3A_41 = tpu.memref_slice %arg8[%mul3A_27, %dma_wait3A] : memref<16x64xi32, #tpu.memory_space<vmem>> -> memref<1x64xi32, #tpu.memory_space<vmem>>
        %dma_wait3A_42 = tpu.memref_squeeze %dma_wait3A_41 : memref<1x64xi32, #tpu.memory_space<vmem>> -> memref<64xi32, #tpu.memory_space<vmem>>
        %dma_wait3A_43 = arith.constant 0 : i32
        %dma_wait3A_44 = arith.constant 0 : i32
        %dma_wait3A_45 = tpu.memref_slice %arg2[%dma_wait3A_43, %dma_wait3A_44] : memref<10000x128xf32, #tpu.memory_space<hbm>> -> memref<10000x128xf32, #tpu.memory_space<hbm>>
        tpu.wait_indirect_dma semaphore(%arg12 : memref<!tpu.dma_semaphore, #tpu.memory_space<semaphore_mem>>) src(%dma_wait3A_45 : memref<10000x128xf32, #tpu.memory_space<hbm>>) dst(%arg10 : memref<64x128xf32, #tpu.memory_space<vmem>>)
        "tpu.region"() ({
          %run_scoped3A = tpu.sem_alloc : memref<!tpu.dma_semaphore, #tpu.memory_space<semaphore_mem>>
          %dma_start3A_52 = arith.constant 0 : i32
          %dma_start3A_53 = tpu.memref_slice %arg9[%mul3A_27, %dma_start3A_52] : memref<16x64xi32, #tpu.memory_space<vmem>> -> memref<1x64xi32, #tpu.memory_space<vmem>>
          %dma_start3A_54 = tpu.memref_squeeze %dma_start3A_53 : memref<1x64xi32, #tpu.memory_space<vmem>> -> memref<64xi32, #tpu.memory_space<vmem>>
          %dma_start3A_55 = arith.constant 0 : i32
          %dma_start3A_56 = arith.constant 0 : i32
          %dma_start3A_57 = tpu.memref_slice %arg7[%dma_start3A_55, %dma_start3A_56] : memref<10112x128xf32, #tpu.memory_space<vmem_shared>> -> memref<10112x128xf32, #tpu.memory_space<vmem_shared>>
          tpu.enqueue_indirect_dma source(%arg10 : memref<64x128xf32, #tpu.memory_space<vmem>>) target(%dma_start3A_57 : memref<10112x128xf32, #tpu.memory_space<vmem_shared>>) offsets(%dma_start3A_54 : memref<64xi32, #tpu.memory_space<vmem>>) semaphore(%run_scoped3A : memref<!tpu.dma_semaphore, #tpu.memory_space<semaphore_mem>>) {add = true}
          %dma_wait3A_58 = arith.constant 0 : i32
          %dma_wait3A_59 = tpu.memref_slice %arg9[%mul3A_27, %dma_wait3A_58] : memref<16x64xi32, #tpu.memory_space<vmem>> -> memref<1x64xi32, #tpu.memory_space<vmem>>
          %dma_wait3A_60 = tpu.memref_squeeze %dma_wait3A_59 : memref<1x64xi32, #tpu.memory_space<vmem>> -> memref<64xi32, #tpu.memory_space<vmem>>
          %dma_wait3A_61 = arith.constant 0 : i32
          %dma_wait3A_62 = arith.constant 0 : i32
          %dma_wait3A_63 = tpu.memref_slice %arg7[%dma_wait3A_61, %dma_wait3A_62] : memref<10112x128xf32, #tpu.memory_space<vmem_shared>> -> memref<10112x128xf32, #tpu.memory_space<vmem_shared>>
          tpu.wait_indirect_dma semaphore(%run_scoped3A : memref<!tpu.dma_semaphore, #tpu.memory_space<semaphore_mem>>) src(%arg10 : memref<64x128xf32, #tpu.memory_space<vmem>>) dst(%dma_wait3A_63 : memref<10112x128xf32, #tpu.memory_space<vmem_shared>>)
          tpu.yield
        }) : () -> ()
        %dma_wait3A_46 = arith.constant 0 : i32
        %dma_wait3A_47 = tpu.memref_slice %arg8[%add3A_29, %dma_wait3A_46] : memref<16x64xi32, #tpu.memory_space<vmem>> -> memref<1x64xi32, #tpu.memory_space<vmem>>
        %dma_wait3A_48 = tpu.memref_squeeze %dma_wait3A_47 : memref<1x64xi32, #tpu.memory_space<vmem>> -> memref<64xi32, #tpu.memory_space<vmem>>
        %dma_wait3A_49 = arith.constant 0 : i32
        %dma_wait3A_50 = arith.constant 0 : i32
        %dma_wait3A_51 = tpu.memref_slice %arg2[%dma_wait3A_49, %dma_wait3A_50] : memref<10000x128xf32, #tpu.memory_space<hbm>> -> memref<10000x128xf32, #tpu.memory_space<hbm>>
        tpu.wait_indirect_dma semaphore(%arg13 : memref<!tpu.dma_semaphore, #tpu.memory_space<semaphore_mem>>) src(%dma_wait3A_51 : memref<10000x128xf32, #tpu.memory_space<hbm>>) dst(%arg11 : memref<64x128xf32, #tpu.memory_space<vmem>>)
        "tpu.region"() ({
          %run_scoped3A = tpu.sem_alloc : memref<!tpu.dma_semaphore, #tpu.memory_space<semaphore_mem>>
          %dma_start3A_52 = arith.constant 0 : i32
          %dma_start3A_53 = tpu.memref_slice %arg9[%add3A_29, %dma_start3A_52] : memref<16x64xi32, #tpu.memory_space<vmem>> -> memref<1x64xi32, #tpu.memory_space<vmem>>
          %dma_start3A_54 = tpu.memref_squeeze %dma_start3A_53 : memref<1x64xi32, #tpu.memory_space<vmem>> -> memref<64xi32, #tpu.memory_space<vmem>>
          %dma_start3A_55 = arith.constant 0 : i32
          %dma_start3A_56 = arith.constant 0 : i32
          %dma_start3A_57 = tpu.memref_slice %arg7[%dma_start3A_55, %dma_start3A_56] : memref<10112x128xf32, #tpu.memory_space<vmem_shared>> -> memref<10112x128xf32, #tpu.memory_space<vmem_shared>>
          tpu.enqueue_indirect_dma source(%arg11 : memref<64x128xf32, #tpu.memory_space<vmem>>) target(%dma_start3A_57 : memref<10112x128xf32, #tpu.memory_space<vmem_shared>>) offsets(%dma_start3A_54 : memref<64xi32, #tpu.memory_space<vmem>>) semaphore(%run_scoped3A : memref<!tpu.dma_semaphore, #tpu.memory_space<semaphore_mem>>) {add = true}
          %dma_wait3A_58 = arith.constant 0 : i32
          %dma_wait3A_59 = tpu.memref_slice %arg9[%add3A_29, %dma_wait3A_58] : memref<16x64xi32, #tpu.memory_space<vmem>> -> memref<1x64xi32, #tpu.memory_space<vmem>>
          %dma_wait3A_60 = tpu.memref_squeeze %dma_wait3A_59 : memref<1x64xi32, #tpu.memory_space<vmem>> -> memref<64xi32, #tpu.memory_space<vmem>>
          %dma_wait3A_61 = arith.constant 0 : i32
          %dma_wait3A_62 = arith.constant 0 : i32
          %dma_wait3A_63 = tpu.memref_slice %arg7[%dma_wait3A_61, %dma_wait3A_62] : memref<10112x128xf32, #tpu.memory_space<vmem_shared>> -> memref<10112x128xf32, #tpu.memory_space<vmem_shared>>
          tpu.wait_indirect_dma semaphore(%run_scoped3A : memref<!tpu.dma_semaphore, #tpu.memory_space<semaphore_mem>>) src(%arg11 : memref<64x128xf32, #tpu.memory_space<vmem>>) dst(%dma_wait3A_63 : memref<10112x128xf32, #tpu.memory_space<vmem_shared>>)
          tpu.yield
        }) : () -> ()
      }
      %scan3A_24 = arith.constant 8 : i32
    }
    %scan3A_7 = arith.constant 10 : i32
    %barrier3A_8 = arith.constant 0 : index
    tpu.barrier barrier_id(%barrier3A_8)
    %mul3A_9 = arith.constant 10112 : i32
    %mul3A_10 = arith.muli %arg0, %mul3A_9 : i32
    %mul3A_11 = arith.constant 632 : i32
    %mul3A_12 = arith.muli %arg1, %mul3A_11 : i32
    %add3A_13 = arith.addi %mul3A_10, %mul3A_12 : i32
    "tpu.region"() ({
      %run_scoped3A = tpu.sem_alloc : memref<!tpu.dma_semaphore, #tpu.memory_space<semaphore_mem>>
      %dma_start3A = arith.constant 0 : i32
      %dma_start3A_14 = tpu.memref_slice %arg6[%add3A_13, %dma_start3A] : memref<20224x128xf32, #tpu.memory_space<hbm>> -> memref<632x128xf32, #tpu.memory_space<hbm>>
      %dma_start3A_15 = arith.constant 0 : i32
      %dma_start3A_16 = tpu.memref_slice %arg7[%mul3A_2, %dma_start3A_15] : memref<10112x128xf32, #tpu.memory_space<vmem_shared>> -> memref<632x128xf32, #tpu.memory_space<vmem_shared>>
      tpu.enqueue_dma source(%dma_start3A_16 : memref<632x128xf32, #tpu.memory_space<vmem_shared>>) target(%dma_start3A_14 : memref<632x128xf32, #tpu.memory_space<hbm>>) target_semaphore(%run_scoped3A : memref<!tpu.dma_semaphore, #tpu.memory_space<semaphore_mem>>)
      %dma_wait3A = arith.constant 0 : i32
      %dma_wait3A_17 = tpu.memref_slice %arg6[%add3A_13, %dma_wait3A] : memref<20224x128xf32, #tpu.memory_space<hbm>> -> memref<632x128xf32, #tpu.memory_space<hbm>>
      %dma_wait3A_18 = arith.constant 0 : i32
      %dma_wait3A_19 = tpu.memref_slice %arg7[%mul3A_2, %dma_wait3A_18] : memref<10112x128xf32, #tpu.memory_space<vmem_shared>> -> memref<632x128xf32, #tpu.memory_space<vmem_shared>>
      tpu.wait_dma2 semaphore(%run_scoped3A : memref<!tpu.dma_semaphore, #tpu.memory_space<semaphore_mem>>) src(%dma_wait3A_19 : memref<632x128xf32, #tpu.memory_space<vmem_shared>>) dst(%dma_wait3A_17 : memref<632x128xf32, #tpu.memory_space<hbm>>)
      tpu.yield
    }) : () -> ()
    return
  }
}

#map = affine_map<(d0, d1) -> (0, 0)>
module attributes {stable_mosaic.version = 14 : i64} {
  func.func @body(%arg0: i32, %arg1: i32, %arg2: memref<10000x128xf32, #tpu.memory_space<hbm>>, %arg3: memref<5120x64xi32, #tpu.memory_space<hbm>>, %arg4: memref<5120x64xi32, #tpu.memory_space<hbm>>, %arg5: memref<10112x128xf32, #tpu.memory_space<hbm>>, %arg6: memref<20224x128xf32, #tpu.memory_space<hbm>>, %arg7: memref<10112x128xf32, #tpu.memory_space<vmem_shared>>, %arg8: memref<16x64xi32, #tpu.memory_space<vmem>>, %arg9: memref<16x64xi32, #tpu.memory_space<vmem>>, %arg10: memref<64x128xf32, #tpu.memory_space<vmem>>, %arg11: memref<64x128xf32, #tpu.memory_space<vmem>>, %arg12: memref<!tpu.dma_semaphore, #tpu.memory_space<semaphore_mem>>, %arg13: memref<!tpu.dma_semaphore, #tpu.memory_space<semaphore_mem>>) attributes {dimension_semantics = [#tpu.dimension_semantics<core_parallel>, #tpu.dimension_semantics<subcore_parallel>], iteration_bounds = array<i64: 2, 16>, scalar_prefetch = 0 : i64, scratch_operands = 7 : i64, tpu.core_type = #tpu.core_type<sc_vector_subcore>, window_params = [{transform_indices = #map}, {transform_indices = #map}, {transform_indices = #map}, {transform_indices = #map}, {transform_indices = #map}]} {
    %mul3A = arith.constant 16 : i32
    %mul3A_0 = arith.muli %arg0, %mul3A : i32
    %add3A = arith.addi %mul3A_0, %arg1 : i32
    %mul3A_1 = arith.constant 632 : i32
    %mul3A_2 = arith.muli %arg1, %mul3A_1 : i32
    "tpu.region"() ({
      %run_scoped3A = tpu.sem_alloc : memref<!tpu.dma_semaphore, #tpu.memory_space<semaphore_mem>>
      %dma_start3A = arith.constant 0 : i32
      %dma_start3A_14 = tpu.memref_slice %arg7[%mul3A_2, %dma_start3A] : memref<10112x128xf32, #tpu.memory_space<vmem_shared>> -> memref<632x128xf32, #tpu.memory_space<vmem_shared>>
      %dma_start3A_15 = arith.constant 0 : i32
      %dma_start3A_16 = tpu.memref_slice %arg5[%mul3A_2, %dma_start3A_15] : memref<10112x128xf32, #tpu.memory_space<hbm>> -> memref<632x128xf32, #tpu.memory_space<hbm>>
      tpu.enqueue_dma source(%dma_start3A_16 : memref<632x128xf32, #tpu.memory_space<hbm>>) target(%dma_start3A_14 : memref<632x128xf32, #tpu.memory_space<vmem_shared>>) target_semaphore(%run_scoped3A : memref<!tpu.dma_semaphore, #tpu.memory_space<semaphore_mem>>)
      %dma_wait3A = arith.constant 0 : i32
      %dma_wait3A_17 = tpu.memref_slice %arg7[%mul3A_2, %dma_wait3A] : memref<10112x128xf32, #tpu.memory_space<vmem_shared>> -> memref<632x128xf32, #tpu.memory_space<vmem_shared>>
      %dma_wait3A_18 = arith.constant 0 : i32
      %dma_wait3A_19 = tpu.memref_slice %arg5[%mul3A_2, %dma_wait3A_18] : memref<10112x128xf32, #tpu.memory_space<hbm>> -> memref<632x128xf32, #tpu.memory_space<hbm>>
      tpu.wait_dma2 semaphore(%run_scoped3A : memref<!tpu.dma_semaphore, #tpu.memory_space<semaphore_mem>>) src(%dma_wait3A_19 : memref<632x128xf32, #tpu.memory_space<hbm>>) dst(%dma_wait3A_17 : memref<632x128xf32, #tpu.memory_space<vmem_shared>>)
      tpu.yield
    }) : () -> ()
    %barrier3A = arith.constant 0 : index
    tpu.barrier barrier_id(%barrier3A)
    %scan3A = arith.constant 0 : i32
    %scan3A_3 = arith.constant 0 : i32
    %scan3A_4 = arith.constant 10 : i32
    %scan3A_5 = arith.addi %scan3A_3, %scan3A_4 : i32
    %scan3A_6 = arith.constant 1 : i32
    scf.for %scan3A_14 = %scan3A_3 to %scan3A_5 step %scan3A_6  : i32 {
      %mul3A_15 = arith.constant 160 : i32
      %mul3A_16 = arith.muli %add3A, %mul3A_15 : i32
      %mul3A_17 = arith.constant 16 : i32
      %mul3A_18 = arith.muli %scan3A_14, %mul3A_17 : i32
      %add3A_19 = arith.addi %mul3A_16, %mul3A_18 : i32
      "tpu.region"() ({
        %run_scoped3A = tpu.sem_alloc : memref<!tpu.dma_semaphore, #tpu.memory_space<semaphore_mem>>
        %dma_start3A = arith.constant 0 : i32
        %dma_start3A_25 = tpu.memref_slice %arg3[%add3A_19, %dma_start3A] : memref<5120x64xi32, #tpu.memory_space<hbm>> -> memref<16x64xi32, #tpu.memory_space<hbm>>
        %dma_start3A_26 = arith.constant 0 : i32
        %dma_start3A_27 = tpu.memref_slice %arg3[%add3A_19, %dma_start3A_26] : memref<5120x64xi32, #tpu.memory_space<hbm>> -> memref<16x64xi32, #tpu.memory_space<hbm>>
        tpu.enqueue_dma source(%dma_start3A_27 : memref<16x64xi32, #tpu.memory_space<hbm>>) target(%arg8 : memref<16x64xi32, #tpu.memory_space<vmem>>) target_semaphore(%run_scoped3A : memref<!tpu.dma_semaphore, #tpu.memory_space<semaphore_mem>>)
        %dma_wait3A = arith.constant 0 : i32
        %dma_wait3A_28 = tpu.memref_slice %arg3[%add3A_19, %dma_wait3A] : memref<5120x64xi32, #tpu.memory_space<hbm>> -> memref<16x64xi32, #tpu.memory_space<hbm>>
        %dma_wait3A_29 = arith.constant 0 : i32
        %dma_wait3A_30 = tpu.memref_slice %arg3[%add3A_19, %dma_wait3A_29] : memref<5120x64xi32, #tpu.memory_space<hbm>> -> memref<16x64xi32, #tpu.memory_space<hbm>>
        tpu.wait_dma2 semaphore(%run_scoped3A : memref<!tpu.dma_semaphore, #tpu.memory_space<semaphore_mem>>) src(%dma_wait3A_30 : memref<16x64xi32, #tpu.memory_space<hbm>>) dst(%arg8 : memref<16x64xi32, #tpu.memory_space<vmem>>)
        tpu.yield
      }) : () -> ()
      "tpu.region"() ({
        %run_scoped3A = tpu.sem_alloc : memref<!tpu.dma_semaphore, #tpu.memory_space<semaphore_mem>>
        %dma_start3A = arith.constant 0 : i32
        %dma_start3A_25 = tpu.memref_slice %arg4[%add3A_19, %dma_start3A] : memref<5120x64xi32, #tpu.memory_space<hbm>> -> memref<16x64xi32, #tpu.memory_space<hbm>>
        %dma_start3A_26 = arith.constant 0 : i32
        %dma_start3A_27 = tpu.memref_slice %arg4[%add3A_19, %dma_start3A_26] : memref<5120x64xi32, #tpu.memory_space<hbm>> -> memref<16x64xi32, #tpu.memory_space<hbm>>
        tpu.enqueue_dma source(%dma_start3A_27 : memref<16x64xi32, #tpu.memory_space<hbm>>) target(%arg9 : memref<16x64xi32, #tpu.memory_space<vmem>>) target_semaphore(%run_scoped3A : memref<!tpu.dma_semaphore, #tpu.memory_space<semaphore_mem>>)
        %dma_wait3A = arith.constant 0 : i32
        %dma_wait3A_28 = tpu.memref_slice %arg4[%add3A_19, %dma_wait3A] : memref<5120x64xi32, #tpu.memory_space<hbm>> -> memref<16x64xi32, #tpu.memory_space<hbm>>
        %dma_wait3A_29 = arith.constant 0 : i32
        %dma_wait3A_30 = tpu.memref_slice %arg4[%add3A_19, %dma_wait3A_29] : memref<5120x64xi32, #tpu.memory_space<hbm>> -> memref<16x64xi32, #tpu.memory_space<hbm>>
        tpu.wait_dma2 semaphore(%run_scoped3A : memref<!tpu.dma_semaphore, #tpu.memory_space<semaphore_mem>>) src(%dma_wait3A_30 : memref<16x64xi32, #tpu.memory_space<hbm>>) dst(%arg9 : memref<16x64xi32, #tpu.memory_space<vmem>>)
        tpu.yield
      }) : () -> ()
      %scan3A_20 = arith.constant 0 : i32
      %scan3A_21 = arith.constant 8 : i32
      %scan3A_22 = arith.addi %scan3A_20, %scan3A_21 : i32
      %scan3A_23 = arith.constant 1 : i32
      scf.for %scan3A_25 = %scan3A_20 to %scan3A_22 step %scan3A_23  : i32 {
        %mul3A_26 = arith.constant 2 : i32
        %mul3A_27 = arith.muli %mul3A_26, %scan3A_25 : i32
        %add3A_28 = arith.constant 1 : i32
        %add3A_29 = arith.addi %mul3A_27, %add3A_28 : i32
        %dma_start3A = arith.constant 0 : i32
        %dma_start3A_30 = tpu.memref_slice %arg8[%mul3A_27, %dma_start3A] : memref<16x64xi32, #tpu.memory_space<vmem>> -> memref<1x64xi32, #tpu.memory_space<vmem>>
        %dma_start3A_31 = tpu.memref_squeeze %dma_start3A_30 : memref<1x64xi32, #tpu.memory_space<vmem>> -> memref<64xi32, #tpu.memory_space<vmem>>
        %dma_start3A_32 = arith.constant 0 : i32
        %dma_start3A_33 = arith.constant 0 : i32
        %dma_start3A_34 = tpu.memref_slice %arg2[%dma_start3A_32, %dma_start3A_33] : memref<10000x128xf32, #tpu.memory_space<hbm>> -> memref<10000x128xf32, #tpu.memory_space<hbm>>
        tpu.enqueue_indirect_dma source(%dma_start3A_34 : memref<10000x128xf32, #tpu.memory_space<hbm>>) target(%arg10 : memref<64x128xf32, #tpu.memory_space<vmem>>) offsets(%dma_start3A_31 : memref<64xi32, #tpu.memory_space<vmem>>) semaphore(%arg12 : memref<!tpu.dma_semaphore, #tpu.memory_space<semaphore_mem>>)
        %dma_start3A_35 = arith.constant 0 : i32
        %dma_start3A_36 = tpu.memref_slice %arg8[%add3A_29, %dma_start3A_35] : memref<16x64xi32, #tpu.memory_space<vmem>> -> memref<1x64xi32, #tpu.memory_space<vmem>>
        %dma_start3A_37 = tpu.memref_squeeze %dma_start3A_36 : memref<1x64xi32, #tpu.memory_space<vmem>> -> memref<64xi32, #tpu.memory_space<vmem>>
        %dma_start3A_38 = arith.constant 0 : i32
        %dma_start3A_39 = arith.constant 0 : i32
        %dma_start3A_40 = tpu.memref_slice %arg2[%dma_start3A_38, %dma_start3A_39] : memref<10000x128xf32, #tpu.memory_space<hbm>> -> memref<10000x128xf32, #tpu.memory_space<hbm>>
        tpu.enqueue_indirect_dma source(%dma_start3A_40 : memref<10000x128xf32, #tpu.memory_space<hbm>>) target(%arg11 : memref<64x128xf32, #tpu.memory_space<vmem>>) offsets(%dma_start3A_37 : memref<64xi32, #tpu.memory_space<vmem>>) semaphore(%arg13 : memref<!tpu.dma_semaphore, #tpu.memory_space<semaphore_mem>>)
        %dma_wait3A = arith.constant 0 : i32
        %dma_wait3A_41 = tpu.memref_slice %arg8[%mul3A_27, %dma_wait3A] : memref<16x64xi32, #tpu.memory_space<vmem>> -> memref<1x64xi32, #tpu.memory_space<vmem>>
        %dma_wait3A_42 = tpu.memref_squeeze %dma_wait3A_41 : memref<1x64xi32, #tpu.memory_space<vmem>> -> memref<64xi32, #tpu.memory_space<vmem>>
        %dma_wait3A_43 = arith.constant 0 : i32
        %dma_wait3A_44 = arith.constant 0 : i32
        %dma_wait3A_45 = tpu.memref_slice %arg2[%dma_wait3A_43, %dma_wait3A_44] : memref<10000x128xf32, #tpu.memory_space<hbm>> -> memref<10000x128xf32, #tpu.memory_space<hbm>>
        tpu.wait_indirect_dma semaphore(%arg12 : memref<!tpu.dma_semaphore, #tpu.memory_space<semaphore_mem>>) src(%dma_wait3A_45 : memref<10000x128xf32, #tpu.memory_space<hbm>>) dst(%arg10 : memref<64x128xf32, #tpu.memory_space<vmem>>)
        "tpu.region"() ({
          %run_scoped3A = tpu.sem_alloc : memref<!tpu.dma_semaphore, #tpu.memory_space<semaphore_mem>>
          %dma_start3A_52 = arith.constant 0 : i32
          %dma_start3A_53 = tpu.memref_slice %arg9[%mul3A_27, %dma_start3A_52] : memref<16x64xi32, #tpu.memory_space<vmem>> -> memref<1x64xi32, #tpu.memory_space<vmem>>
          %dma_start3A_54 = tpu.memref_squeeze %dma_start3A_53 : memref<1x64xi32, #tpu.memory_space<vmem>> -> memref<64xi32, #tpu.memory_space<vmem>>
          %dma_start3A_55 = arith.constant 0 : i32
          %dma_start3A_56 = arith.constant 0 : i32
          %dma_start3A_57 = tpu.memref_slice %arg7[%dma_start3A_55, %dma_start3A_56] : memref<10112x128xf32, #tpu.memory_space<vmem_shared>> -> memref<10112x128xf32, #tpu.memory_space<vmem_shared>>
          tpu.enqueue_indirect_dma source(%arg10 : memref<64x128xf32, #tpu.memory_space<vmem>>) target(%dma_start3A_57 : memref<10112x128xf32, #tpu.memory_space<vmem_shared>>) offsets(%dma_start3A_54 : memref<64xi32, #tpu.memory_space<vmem>>) semaphore(%run_scoped3A : memref<!tpu.dma_semaphore, #tpu.memory_space<semaphore_mem>>) {add = true}
          %dma_wait3A_58 = arith.constant 0 : i32
          %dma_wait3A_59 = tpu.memref_slice %arg9[%mul3A_27, %dma_wait3A_58] : memref<16x64xi32, #tpu.memory_space<vmem>> -> memref<1x64xi32, #tpu.memory_space<vmem>>
          %dma_wait3A_60 = tpu.memref_squeeze %dma_wait3A_59 : memref<1x64xi32, #tpu.memory_space<vmem>> -> memref<64xi32, #tpu.memory_space<vmem>>
          %dma_wait3A_61 = arith.constant 0 : i32
          %dma_wait3A_62 = arith.constant 0 : i32
          %dma_wait3A_63 = tpu.memref_slice %arg7[%dma_wait3A_61, %dma_wait3A_62] : memref<10112x128xf32, #tpu.memory_space<vmem_shared>> -> memref<10112x128xf32, #tpu.memory_space<vmem_shared>>
          tpu.wait_indirect_dma semaphore(%run_scoped3A : memref<!tpu.dma_semaphore, #tpu.memory_space<semaphore_mem>>) src(%arg10 : memref<64x128xf32, #tpu.memory_space<vmem>>) dst(%dma_wait3A_63 : memref<10112x128xf32, #tpu.memory_space<vmem_shared>>)
          tpu.yield
        }) : () -> ()
        %dma_wait3A_46 = arith.constant 0 : i32
        %dma_wait3A_47 = tpu.memref_slice %arg8[%add3A_29, %dma_wait3A_46] : memref<16x64xi32, #tpu.memory_space<vmem>> -> memref<1x64xi32, #tpu.memory_space<vmem>>
        %dma_wait3A_48 = tpu.memref_squeeze %dma_wait3A_47 : memref<1x64xi32, #tpu.memory_space<vmem>> -> memref<64xi32, #tpu.memory_space<vmem>>
        %dma_wait3A_49 = arith.constant 0 : i32
        %dma_wait3A_50 = arith.constant 0 : i32
        %dma_wait3A_51 = tpu.memref_slice %arg2[%dma_wait3A_49, %dma_wait3A_50] : memref<10000x128xf32, #tpu.memory_space<hbm>> -> memref<10000x128xf32, #tpu.memory_space<hbm>>
        tpu.wait_indirect_dma semaphore(%arg13 : memref<!tpu.dma_semaphore, #tpu.memory_space<semaphore_mem>>) src(%dma_wait3A_51 : memref<10000x128xf32, #tpu.memory_space<hbm>>) dst(%arg11 : memref<64x128xf32, #tpu.memory_space<vmem>>)
        "tpu.region"() ({
          %run_scoped3A = tpu.sem_alloc : memref<!tpu.dma_semaphore, #tpu.memory_space<semaphore_mem>>
          %dma_start3A_52 = arith.constant 0 : i32
          %dma_start3A_53 = tpu.memref_slice %arg9[%add3A_29, %dma_start3A_52] : memref<16x64xi32, #tpu.memory_space<vmem>> -> memref<1x64xi32, #tpu.memory_space<vmem>>
          %dma_start3A_54 = tpu.memref_squeeze %dma_start3A_53 : memref<1x64xi32, #tpu.memory_space<vmem>> -> memref<64xi32, #tpu.memory_space<vmem>>
          %dma_start3A_55 = arith.constant 0 : i32
          %dma_start3A_56 = arith.constant 0 : i32
          %dma_start3A_57 = tpu.memref_slice %arg7[%dma_start3A_55, %dma_start3A_56] : memref<10112x128xf32, #tpu.memory_space<vmem_shared>> -> memref<10112x128xf32, #tpu.memory_space<vmem_shared>>
          tpu.enqueue_indirect_dma source(%arg11 : memref<64x128xf32, #tpu.memory_space<vmem>>) target(%dma_start3A_57 : memref<10112x128xf32, #tpu.memory_space<vmem_shared>>) offsets(%dma_start3A_54 : memref<64xi32, #tpu.memory_space<vmem>>) semaphore(%run_scoped3A : memref<!tpu.dma_semaphore, #tpu.memory_space<semaphore_mem>>) {add = true}
          %dma_wait3A_58 = arith.constant 0 : i32
          %dma_wait3A_59 = tpu.memref_slice %arg9[%add3A_29, %dma_wait3A_58] : memref<16x64xi32, #tpu.memory_space<vmem>> -> memref<1x64xi32, #tpu.memory_space<vmem>>
          %dma_wait3A_60 = tpu.memref_squeeze %dma_wait3A_59 : memref<1x64xi32, #tpu.memory_space<vmem>> -> memref<64xi32, #tpu.memory_space<vmem>>
          %dma_wait3A_61 = arith.constant 0 : i32
          %dma_wait3A_62 = arith.constant 0 : i32
          %dma_wait3A_63 = tpu.memref_slice %arg7[%dma_wait3A_61, %dma_wait3A_62] : memref<10112x128xf32, #tpu.memory_space<vmem_shared>> -> memref<10112x128xf32, #tpu.memory_space<vmem_shared>>
          tpu.wait_indirect_dma semaphore(%run_scoped3A : memref<!tpu.dma_semaphore, #tpu.memory_space<semaphore_mem>>) src(%arg11 : memref<64x128xf32, #tpu.memory_space<vmem>>) dst(%dma_wait3A_63 : memref<10112x128xf32, #tpu.memory_space<vmem_shared>>)
          tpu.yield
        }) : () -> ()
      }
      %scan3A_24 = arith.constant 8 : i32
    }
    %scan3A_7 = arith.constant 10 : i32
    %barrier3A_8 = arith.constant 0 : index
    tpu.barrier barrier_id(%barrier3A_8)
    %mul3A_9 = arith.constant 10112 : i32
    %mul3A_10 = arith.muli %arg0, %mul3A_9 : i32
    %mul3A_11 = arith.constant 632 : i32
    %mul3A_12 = arith.muli %arg1, %mul3A_11 : i32
    %add3A_13 = arith.addi %mul3A_10, %mul3A_12 : i32
    "tpu.region"() ({
      %run_scoped3A = tpu.sem_alloc : memref<!tpu.dma_semaphore, #tpu.memory_space<semaphore_mem>>
      %dma_start3A = arith.constant 0 : i32
      %dma_start3A_14 = tpu.memref_slice %arg6[%add3A_13, %dma_start3A] : memref<20224x128xf32, #tpu.memory_space<hbm>> -> memref<632x128xf32, #tpu.memory_space<hbm>>
      %dma_start3A_15 = arith.constant 0 : i32
      %dma_start3A_16 = tpu.memref_slice %arg7[%mul3A_2, %dma_start3A_15] : memref<10112x128xf32, #tpu.memory_space<vmem_shared>> -> memref<632x128xf32, #tpu.memory_space<vmem_shared>>
      tpu.enqueue_dma source(%dma_start3A_16 : memref<632x128xf32, #tpu.memory_space<vmem_shared>>) target(%dma_start3A_14 : memref<632x128xf32, #tpu.memory_space<hbm>>) target_semaphore(%run_scoped3A : memref<!tpu.dma_semaphore, #tpu.memory_space<semaphore_mem>>)
      %dma_wait3A = arith.constant 0 : i32
      %dma_wait3A_17 = tpu.memref_slice %arg6[%add3A_13, %dma_wait3A] : memref<20224x128xf32, #tpu.memory_space<hbm>> -> memref<632x128xf32, #tpu.memory_space<hbm>>
      %dma_wait3A_18 = arith.constant 0 : i32
      %dma_wait3A_19 = tpu.memref_slice %arg7[%mul3A_2, %dma_wait3A_18] : memref<10112x128xf32, #tpu.memory_space<vmem_shared>> -> memref<632x128xf32, #tpu.memory_space<vmem_shared>>
      tpu.wait_dma2 semaphore(%run_scoped3A : memref<!tpu.dma_semaphore, #tpu.memory_space<semaphore_mem>>) src(%dma_wait3A_19 : memref<632x128xf32, #tpu.memory_space<vmem_shared>>) dst(%dma_wait3A_17 : memref<632x128xf32, #tpu.memory_space<hbm>>)
      tpu.yield
    }) : () -> ()
    return
  }
}

module attributes {stable_mosaic.version = 14 : i64} {
  func.func @_tc_dense_body(%arg0: i32, %arg1: memref<1000x128xf32, #tpu.memory_space<vmem>>, %arg2: memref<1000x128xf32, #tpu.memory_space<vmem>>, %arg3: memref<1000x128xf32, #tpu.memory_space<vmem>>, %arg4: memref<1000x128xf32, #tpu.memory_space<vmem>>, %arg5: memref<1000x128xf32, #tpu.memory_space<vmem>>, %arg6: memref<128x128xf32, #tpu.memory_space<vmem>>, %arg7: memref<128x128xf32, #tpu.memory_space<vmem>>, %arg8: memref<1x128xf32, #tpu.memory_space<vmem>>, %arg9: memref<1000x128xf32, #tpu.memory_space<vmem>>) attributes {dimension_semantics = [#tpu.dimension_semantics<arbitrary>], iteration_bounds = array<i64: 10>, scalar_prefetch = 0 : i64, scratch_operands = 0 : i64, tpu.core_type = #tpu.core_type<tc>, window_params = [{transform_indices = @transform_0, window_bounds = array<i64: 1000, 128>}, {transform_indices = @transform_1, window_bounds = array<i64: 1000, 128>}, {transform_indices = @transform_2, window_bounds = array<i64: 1000, 128>}, {transform_indices = @transform_3, window_bounds = array<i64: 1000, 128>}, {transform_indices = @transform_4, window_bounds = array<i64: 1000, 128>}, {pipeline_mode = #tpu.pipeline_mode<synchronous>, transform_indices = @transform_5, window_bounds = array<i64: 128, 128>}, {pipeline_mode = #tpu.pipeline_mode<synchronous>, transform_indices = @transform_6, window_bounds = array<i64: 128, 128>}, {pipeline_mode = #tpu.pipeline_mode<synchronous>, transform_indices = @transform_7, window_bounds = array<i64: 1, 128>}, {transform_indices = @transform_8, window_bounds = array<i64: 1000, 128>}]} {
    %get3A = arith.constant 0 : index
    %get3A_0 = arith.constant 0 : index
    %get3A_1 = vector.load %arg3[%get3A, %get3A_0] : memref<1000x128xf32, #tpu.memory_space<vmem>>, vector<1000x1xf32>
    %get3A_2 = arith.constant 0 : index
    %get3A_3 = arith.constant 0 : index
    %get3A_4 = vector.load %arg4[%get3A_2, %get3A_3] : memref<1000x128xf32, #tpu.memory_space<vmem>>, vector<1000x1xf32>
    %add3A = arith.addf %get3A_1, %get3A_4 : vector<1000x1xf32>
    %get3A_5 = arith.constant 0 : index
    %get3A_6 = arith.constant 0 : index
    %get3A_7 = vector.load %arg1[%get3A_5, %get3A_6] : memref<1000x128xf32, #tpu.memory_space<vmem>>, vector<1000x128xf32>
    %get3A_8 = arith.constant 0 : index
    %get3A_9 = arith.constant 0 : index
    %get3A_10 = vector.load %arg2[%get3A_8, %get3A_9] : memref<1000x128xf32, #tpu.memory_space<vmem>>, vector<1000x128xf32>
    %add3A_11 = arith.addf %get3A_7, %get3A_10 : vector<1000x128xf32>
    %max3A = arith.constant 1.000000e+00 : f32
    %max3A_12 = vector.broadcast %max3A : f32 to vector<1000x1xf32>
    %max3A_13 = arith.maximumf %add3A, %max3A_12 : vector<1000x1xf32>
    %div3A = vector.broadcast %max3A_13 : vector<1000x1xf32> to vector<1000x128xf32>
    %div3A_14 = arith.divf %add3A_11, %div3A : vector<1000x128xf32>
    %get3A_15 = arith.constant 0 : index
    %get3A_16 = arith.constant 0 : index
    %get3A_17 = vector.load %arg6[%get3A_15, %get3A_16] : memref<128x128xf32, #tpu.memory_space<vmem>>, vector<128x128xf32>
    %dot_general3A = arith.constant dense<0.000000e+00> : vector<1000x128xf32>
    %dot_general3A_18 = tpu.matmul %div3A_14, %get3A_17, %dot_general3A {dimension_numbers = #tpu.dot_dimension_numbers<[1], [1], [0], [0], [0, 0, 1, 0], [], []>, transpose_lhs_hint = false} : vector<1000x128xf32>, vector<128x128xf32>, vector<1000x128xf32> -> vector<1000x128xf32>
    %get3A_19 = arith.constant 0 : index
    %get3A_20 = arith.constant 0 : index
    %get3A_21 = vector.load %arg5[%get3A_19, %get3A_20] : memref<1000x128xf32, #tpu.memory_space<vmem>>, vector<1000x128xf32>
    %get3A_22 = arith.constant 0 : index
    %get3A_23 = arith.constant 0 : index
    %get3A_24 = vector.load %arg7[%get3A_22, %get3A_23] : memref<128x128xf32, #tpu.memory_space<vmem>>, vector<128x128xf32>
    %dot_general3A_25 = arith.constant dense<0.000000e+00> : vector<1000x128xf32>
    %dot_general3A_26 = tpu.matmul %get3A_21, %get3A_24, %dot_general3A_25 {dimension_numbers = #tpu.dot_dimension_numbers<[1], [1], [0], [0], [0, 0, 1, 0], [], []>, transpose_lhs_hint = false} : vector<1000x128xf32>, vector<128x128xf32>, vector<1000x128xf32> -> vector<1000x128xf32>
    %add3A_27 = arith.addf %dot_general3A_18, %dot_general3A_26 : vector<1000x128xf32>
    %get3A_28 = arith.constant 0 : index
    %get3A_29 = arith.constant 0 : index
    %get3A_30 = vector.load %arg8[%get3A_28, %get3A_29] : memref<1x128xf32, #tpu.memory_space<vmem>>, vector<1x128xf32>
    %add3A_31 = vector.broadcast %get3A_30 : vector<1x128xf32> to vector<1000x128xf32>
    %add3A_32 = arith.addf %add3A_27, %add3A_31 : vector<1000x128xf32>
    %max3A_33 = arith.constant 0.000000e+00 : f32
    %max3A_34 = vector.broadcast %max3A_33 : f32 to vector<1000x128xf32>
    %max3A_35 = arith.maximumf %add3A_32, %max3A_34 : vector<1000x128xf32>
    %swap3A = arith.constant 0 : index
    %swap3A_36 = arith.constant 0 : index
    %swap3A_37 = vector.load %arg9[%swap3A, %swap3A_36] : memref<1000x128xf32, #tpu.memory_space<vmem>>, vector<1000x128xf32>
    tpu.vector_store %arg9[%swap3A, %swap3A_36], %max3A_35 {strides = array<i32>} : memref<1000x128xf32, #tpu.memory_space<vmem>>, vector<1000x128xf32>,
    return
  }
  func.func @transform_0(%arg0: i32) -> (i32, i32) {
    %c0_i32 = arith.constant 0 : i32
    %c0_i32_0 = arith.constant 0 : i32
    return %arg0, %c0_i32 : i32, i32
  }
  func.func @transform_1(%arg0: i32) -> (i32, i32) {
    %c0_i32 = arith.constant 0 : i32
    %c0_i32_0 = arith.constant 0 : i32
    return %arg0, %c0_i32 : i32, i32
  }
  func.func @transform_2(%arg0: i32) -> (i32, i32) {
    %c0_i32 = arith.constant 0 : i32
    %c0_i32_0 = arith.constant 0 : i32
    return %arg0, %c0_i32 : i32, i32
  }
  func.func @transform_3(%arg0: i32) -> (i32, i32) {
    %c0_i32 = arith.constant 0 : i32
    %c0_i32_0 = arith.constant 0 : i32
    return %arg0, %c0_i32 : i32, i32
  }
  func.func @transform_4(%arg0: i32) -> (i32, i32) {
    %c0_i32 = arith.constant 0 : i32
    %c0_i32_0 = arith.constant 0 : i32
    return %arg0, %c0_i32 : i32, i32
  }
  func.func @transform_5(%arg0: i32) -> (i32, i32) {
    %c0_i32 = arith.constant 0 : i32
    %c0_i32_0 = arith.constant 0 : i32
    %c0_i32_1 = arith.constant 0 : i32
    return %c0_i32, %c0_i32_0 : i32, i32
  }
  func.func @transform_6(%arg0: i32) -> (i32, i32) {
    %c0_i32 = arith.constant 0 : i32
    %c0_i32_0 = arith.constant 0 : i32
    %c0_i32_1 = arith.constant 0 : i32
    return %c0_i32, %c0_i32_0 : i32, i32
  }
  func.func @transform_7(%arg0: i32) -> (i32, i32) {
    %c0_i32 = arith.constant 0 : i32
    %c0_i32_0 = arith.constant 0 : i32
    %c0_i32_1 = arith.constant 0 : i32
    return %c0_i32, %c0_i32_0 : i32, i32
  }
  func.func @transform_8(%arg0: i32) -> (i32, i32) {
    %c0_i32 = arith.constant 0 : i32
    %c0_i32_0 = arith.constant 0 : i32
    return %arg0, %c0_i32 : i32, i32
  }
}

module attributes {stable_mosaic.version = 14 : i64} {
  func.func @_tc_dense_body(%arg0: i32, %arg1: memref<1000x128xf32, #tpu.memory_space<vmem>>, %arg2: memref<1000x128xf32, #tpu.memory_space<vmem>>, %arg3: memref<1000x128xf32, #tpu.memory_space<vmem>>, %arg4: memref<1000x128xf32, #tpu.memory_space<vmem>>, %arg5: memref<1000x128xf32, #tpu.memory_space<vmem>>, %arg6: memref<128x128xf32, #tpu.memory_space<vmem>>, %arg7: memref<128x128xf32, #tpu.memory_space<vmem>>, %arg8: memref<1x128xf32, #tpu.memory_space<vmem>>, %arg9: memref<1000x128xf32, #tpu.memory_space<vmem>>) attributes {dimension_semantics = [#tpu.dimension_semantics<arbitrary>], iteration_bounds = array<i64: 10>, scalar_prefetch = 0 : i64, scratch_operands = 0 : i64, tpu.core_type = #tpu.core_type<tc>, window_params = [{transform_indices = @transform_0, window_bounds = array<i64: 1000, 128>}, {transform_indices = @transform_1, window_bounds = array<i64: 1000, 128>}, {transform_indices = @transform_2, window_bounds = array<i64: 1000, 128>}, {transform_indices = @transform_3, window_bounds = array<i64: 1000, 128>}, {transform_indices = @transform_4, window_bounds = array<i64: 1000, 128>}, {pipeline_mode = #tpu.pipeline_mode<synchronous>, transform_indices = @transform_5, window_bounds = array<i64: 128, 128>}, {pipeline_mode = #tpu.pipeline_mode<synchronous>, transform_indices = @transform_6, window_bounds = array<i64: 128, 128>}, {pipeline_mode = #tpu.pipeline_mode<synchronous>, transform_indices = @transform_7, window_bounds = array<i64: 1, 128>}, {transform_indices = @transform_8, window_bounds = array<i64: 1000, 128>}]} {
    %get3A = arith.constant 0 : index
    %get3A_0 = arith.constant 0 : index
    %get3A_1 = vector.load %arg3[%get3A, %get3A_0] : memref<1000x128xf32, #tpu.memory_space<vmem>>, vector<1000x1xf32>
    %get3A_2 = arith.constant 0 : index
    %get3A_3 = arith.constant 0 : index
    %get3A_4 = vector.load %arg4[%get3A_2, %get3A_3] : memref<1000x128xf32, #tpu.memory_space<vmem>>, vector<1000x1xf32>
    %add3A = arith.addf %get3A_1, %get3A_4 : vector<1000x1xf32>
    %get3A_5 = arith.constant 0 : index
    %get3A_6 = arith.constant 0 : index
    %get3A_7 = vector.load %arg1[%get3A_5, %get3A_6] : memref<1000x128xf32, #tpu.memory_space<vmem>>, vector<1000x128xf32>
    %get3A_8 = arith.constant 0 : index
    %get3A_9 = arith.constant 0 : index
    %get3A_10 = vector.load %arg2[%get3A_8, %get3A_9] : memref<1000x128xf32, #tpu.memory_space<vmem>>, vector<1000x128xf32>
    %add3A_11 = arith.addf %get3A_7, %get3A_10 : vector<1000x128xf32>
    %max3A = arith.constant 1.000000e+00 : f32
    %max3A_12 = vector.broadcast %max3A : f32 to vector<1000x1xf32>
    %max3A_13 = arith.maximumf %add3A, %max3A_12 : vector<1000x1xf32>
    %div3A = vector.broadcast %max3A_13 : vector<1000x1xf32> to vector<1000x128xf32>
    %div3A_14 = arith.divf %add3A_11, %div3A : vector<1000x128xf32>
    %get3A_15 = arith.constant 0 : index
    %get3A_16 = arith.constant 0 : index
    %get3A_17 = vector.load %arg6[%get3A_15, %get3A_16] : memref<128x128xf32, #tpu.memory_space<vmem>>, vector<128x128xf32>
    %dot_general3A = arith.constant dense<0.000000e+00> : vector<1000x128xf32>
    %dot_general3A_18 = tpu.matmul %div3A_14, %get3A_17, %dot_general3A {dimension_numbers = #tpu.dot_dimension_numbers<[1], [1], [0], [0], [0, 0, 1, 0], [], []>, transpose_lhs_hint = false} : vector<1000x128xf32>, vector<128x128xf32>, vector<1000x128xf32> -> vector<1000x128xf32>
    %get3A_19 = arith.constant 0 : index
    %get3A_20 = arith.constant 0 : index
    %get3A_21 = vector.load %arg5[%get3A_19, %get3A_20] : memref<1000x128xf32, #tpu.memory_space<vmem>>, vector<1000x128xf32>
    %get3A_22 = arith.constant 0 : index
    %get3A_23 = arith.constant 0 : index
    %get3A_24 = vector.load %arg7[%get3A_22, %get3A_23] : memref<128x128xf32, #tpu.memory_space<vmem>>, vector<128x128xf32>
    %dot_general3A_25 = arith.constant dense<0.000000e+00> : vector<1000x128xf32>
    %dot_general3A_26 = tpu.matmul %get3A_21, %get3A_24, %dot_general3A_25 {dimension_numbers = #tpu.dot_dimension_numbers<[1], [1], [0], [0], [0, 0, 1, 0], [], []>, transpose_lhs_hint = false} : vector<1000x128xf32>, vector<128x128xf32>, vector<1000x128xf32> -> vector<1000x128xf32>
    %add3A_27 = arith.addf %dot_general3A_18, %dot_general3A_26 : vector<1000x128xf32>
    %get3A_28 = arith.constant 0 : index
    %get3A_29 = arith.constant 0 : index
    %get3A_30 = vector.load %arg8[%get3A_28, %get3A_29] : memref<1x128xf32, #tpu.memory_space<vmem>>, vector<1x128xf32>
    %add3A_31 = vector.broadcast %get3A_30 : vector<1x128xf32> to vector<1000x128xf32>
    %add3A_32 = arith.addf %add3A_27, %add3A_31 : vector<1000x128xf32>
    %swap3A = arith.constant 0 : index
    %swap3A_33 = arith.constant 0 : index
    %swap3A_34 = vector.load %arg9[%swap3A, %swap3A_33] : memref<1000x128xf32, #tpu.memory_space<vmem>>, vector<1000x128xf32>
    tpu.vector_store %arg9[%swap3A, %swap3A_33], %add3A_32 {strides = array<i32>} : memref<1000x128xf32, #tpu.memory_space<vmem>>, vector<1000x128xf32>,
    return
  }
  func.func @transform_0(%arg0: i32) -> (i32, i32) {
    %c0_i32 = arith.constant 0 : i32
    %c0_i32_0 = arith.constant 0 : i32
    return %arg0, %c0_i32 : i32, i32
  }
  func.func @transform_1(%arg0: i32) -> (i32, i32) {
    %c0_i32 = arith.constant 0 : i32
    %c0_i32_0 = arith.constant 0 : i32
    return %arg0, %c0_i32 : i32, i32
  }
  func.func @transform_2(%arg0: i32) -> (i32, i32) {
    %c0_i32 = arith.constant 0 : i32
    %c0_i32_0 = arith.constant 0 : i32
    return %arg0, %c0_i32 : i32, i32
  }
  func.func @transform_3(%arg0: i32) -> (i32, i32) {
    %c0_i32 = arith.constant 0 : i32
    %c0_i32_0 = arith.constant 0 : i32
    return %arg0, %c0_i32 : i32, i32
  }
  func.func @transform_4(%arg0: i32) -> (i32, i32) {
    %c0_i32 = arith.constant 0 : i32
    %c0_i32_0 = arith.constant 0 : i32
    return %arg0, %c0_i32 : i32, i32
  }
  func.func @transform_5(%arg0: i32) -> (i32, i32) {
    %c0_i32 = arith.constant 0 : i32
    %c0_i32_0 = arith.constant 0 : i32
    %c0_i32_1 = arith.constant 0 : i32
    return %c0_i32, %c0_i32_0 : i32, i32
  }
  func.func @transform_6(%arg0: i32) -> (i32, i32) {
    %c0_i32 = arith.constant 0 : i32
    %c0_i32_0 = arith.constant 0 : i32
    %c0_i32_1 = arith.constant 0 : i32
    return %c0_i32, %c0_i32_0 : i32, i32
  }
  func.func @transform_7(%arg0: i32) -> (i32, i32) {
    %c0_i32 = arith.constant 0 : i32
    %c0_i32_0 = arith.constant 0 : i32
    %c0_i32_1 = arith.constant 0 : i32
    return %c0_i32, %c0_i32_0 : i32, i32
  }
  func.func @transform_8(%arg0: i32) -> (i32, i32) {
    %c0_i32 = arith.constant 0 : i32
    %c0_i32_0 = arith.constant 0 : i32
    return %arg0, %c0_i32 : i32, i32
  }
}

</mosaic_0001>

<sc_bundles>
// kernel: kernel.10.cloned.1.call-start
scs
__scs_entry_jumppad:
0x0: {  	(pc) =	sbr.rel $0x88, $3  }
0x1: {  	(tag) =	ssettag $0x0;
	lr =	simm.s32 $0x1  }
0x2: {  	[smem:$0x3F99] =	sst lr;
	_ =	strace $0xD0000000  }
0x3: {  	_ = 	snop  }
0x4: {  	_ = 	snop  }
0x5: {  	_ = 	snop  }
0x6: {  	_ = 	snop  }
0x7: {  	_ = 	snop  }
__scs_overlays_trampoline_lowered:
0x8: {  	[smem:$0x3FA8] =	sst s0  }
0x9: {  	[smem:$0x3FA9] =	sst s1  }
0xa: {  	[smem:$0x3FAA] =	sst s2  }
0xb: {  	[smem:$0x3FAB] =	sst s3  }
0xc: {  	[smem:$0x3FAC] =	sst s4  }
0xd: {  	[smem:$0x3FAD] =	sst s5  }
0xe: {  	[smem:$0x3FAE] =	sst s6  }
0xf: {  	[smem:$0x3FAF] =	sst s7  }
0x10: {  	[smem:$0x3FB0] =	sst s8  }
0x11: {  	[smem:$0x3FB1] =	sst s9;
	s0 =	simm.s32 @!p0 $0x0  }
0x12: {  	s1 =	sld [smem:$0x3F97];
	s0 =	simm.s32 @p0 $0x1  }
0x13: {  	[smem:$0x3FB2] =	sst s0;
	s0 =	simm.s32 @!p1 $0x0  }
0x14: {  	s2 =	sld [smem:$0x3F96];
	s0 =	simm.s32 @p1 $0x1  }
0x15: {  	[smem:$0x3FB3] =	sst s0;
	s0 =	simm.s32 @!p2 $0x0  }
0x16: {  	s3 =	sld [smem:$0x3FDB];
	s0 =	simm.s32 @p2 $0x1  }
0x17: {  	s4 =	simm.s32 $0x1BF5;
	[smem:$0x3FB5] =	sst s0  }
0x18: {  	s0 =	sld [smem:$0x3F98];
	_ =	swait.ge [sflag:s4], $0x0  }
0x19: {  	s7 =	sld [smem:$0x3F99]  }
0x1a: {  	s8 =	sadd.s32 $0xFFFFE003, lr  }
0x1b: {  	s9 =	sadd.s32 $0xFFFFFEF7, lr;
	s5 =	simm.s32 $0xFFFFFFFF;
	p2 =	slt.u32 s8, $0xFFFFF086  }
0x1c: {  	p1 =	slt.u32 s9, $0xF7A;
	s5 =	simm.s32 @!p2 $0x0  }
0x1d: {  	s5 =	simm.s32 @p1 $0x1;
	p0 =	seq.s32 s7, s2  }
0x1e: {  	s7 =	smul.u32 @!p0 $0xF7A, s2;
	p2 =	seq.s32 @!p0 s5, $0x0  }
0x1f: {  	s9 =	smul.u32 $0xF7A, s1;
	s8 =	simm.s32 @!p0 $0x1BF5;
	p2 =	por !p2, p0  }
0x20: {  	[sflag:s8] =	ssyncset.s32 @!p0 $0xFFFFF086;
	s6 =	sadd.s32 @!p0 s3, s7;
	s7 =	simm.s32 @!p0 $0x108  }
0x21: {  	s3 =	sadd.s32 s3, s9;
	s6 =	sadd.s32 @!p0 $0x88, s6;
	s7 =	simm.s32 @p2 $0x1082  }
0x22: {  	[simem:s7], [sflag:s8] =	dma.local @!p0 [hbm:s6], $0xF7A  }
0x23: {  	s9 =	sor.u32 $0xD0000000, s2;
	s6 =	simm.s32 $0x108;
	_ =	swait.ge @!p0 [sflag:s8], $0x0  }
0x24: {  	s3 =	sadd.s32 $0x88, s3;
	s6 =	simm.s32 @!p1 $0x1082;
	[sflag:s4] =	ssyncset.s32 $0xFFFFF086  }
0x25: {  	[simem:s6], [sflag:s4] =	dma.local [hbm:s3], $0xF7A  }
0x26: {  	[smem:$0x3F99] =	sst s1;
	(tag) =	ssettag s2;
	_ =	strace s9  }
0x27: {  	s1 =	sld [smem:$0x3FA9]  }
0x28: {  	s2 =	sld [smem:$0x3FAA]  }
0x29: {  	s4 =	sld [smem:$0x3FAC]  }
0x2a: {  	p0 =	seq.s32 s5, $0x0;
	s5 =	sld [smem:$0x3FAD]  }
0x2b: {  	s6 =	sld [smem:$0x3FAE]  }
0x2c: {  	s7 =	sld [smem:$0x3FAF]  }
0x2d: {  	s3 =	simm.s32 $0x108;
	s8 =	sld [smem:$0x3FB0]  }
0x2e: {  	s3 =	simm.s32 @!p0 $0x1082;
	s9 =	sld [smem:$0x3FB1]  }
0x2f: {  	lr =	sadd.s32 s0, s3;
	s0 =	sld [smem:$0x3FA8]  }
0x30: {  	s3 =	sld [smem:$0x3FAB]  }
0x31: {  	[smem:$0x3FB4] =	sst s10  }
0x32: {  	s10 =	sld [smem:$0x3FB2];
	_ =	sdelay $0x3  }
0x33: {  	p0 =	seq.s32 s10, $0x1;
	s10 =	sld [smem:$0x3FB4];
	_ =	sdelay $0x3  }
0x34: {  	[smem:$0x3FB4] =	sst s10  }
0x35: {  	s10 =	sld [smem:$0x3FB3];
	_ =	sdelay $0x3  }
0x36: {  	p1 =	seq.s32 s10, $0x1;
	s10 =	sld [smem:$0x3FB4];
	_ =	sdelay $0x3  }
0x37: {  	[smem:$0x3FB4] =	sst s10  }
0x38: {  	s10 =	sld [smem:$0x3FB5]  }
0x39: {  	_ = 	snop;
	(pc) =	sbr.ind lr, $3  }
0x3a: {  	_ = 	snop  }
0x3b: {  	_ = 	snop  }
0x3c: {  	p2 =	seq.s32 s10, $0x1;
	s10 =	sld [smem:$0x3FB4]  }
0x3d: {  	_ =	shalt  }
0x3e: {  	_ =	shalt  }
0x3f: {  	_ =	shalt  }
0x40: {  	_ =	shalt  }
0x41: {  	_ =	shalt  }
0x42: {  	_ =	shalt  }
0x43: {  	_ =	shalt  }
0x44: {  	_ =	shalt  }
0x45: {  	_ =	shalt  }
0x46: {  	_ =	shalt  }
0x47: {  	_ =	shalt  }
0x48: {  	_ =	shalt  }
0x49: {  	_ =	shalt  }
0x4a: {  	_ =	shalt  }
0x4b: {  	_ =	shalt  }
0x4c: {  	_ =	shalt  }
0x4d: {  	_ =	shalt  }
0x4e: {  	_ =	shalt  }
0x4f: {  	_ =	shalt  }
0x50: {  	_ =	shalt  }
0x51: {  	_ =	shalt  }
0x52: {  	_ =	shalt  }
0x53: {  	_ =	shalt  }
0x54: {  	_ =	shalt  }
0x55: {  	_ =	shalt  }
0x56: {  	_ =	shalt  }
0x57: {  	_ =	shalt  }
0x58: {  	_ =	shalt  }
0x59: {  	_ =	shalt  }
0x5a: {  	_ =	shalt  }
0x5b: {  	_ =	shalt  }
0x5c: {  	_ =	shalt  }
0x5d: {  	_ =	shalt  }
0x5e: {  	_ =	shalt  }
0x5f: {  	_ =	shalt  }
0x60: {  	_ =	shalt  }
0x61: {  	_ =	shalt  }
0x62: {  	_ =	shalt  }
0x63: {  	_ =	shalt  }
0x64: {  	_ =	shalt  }
0x65: {  	_ =	shalt  }
0x66: {  	_ =	shalt  }
0x67: {  	_ =	shalt  }
0x68: {  	_ =	shalt  }
0x69: {  	_ =	shalt  }
0x6a: {  	_ =	shalt  }
0x6b: {  	_ =	shalt  }
0x6c: {  	_ =	shalt  }
0x6d: {  	_ =	shalt  }
0x6e: {  	_ =	shalt  }
0x6f: {  	_ =	shalt  }
0x70: {  	_ =	shalt  }
0x71: {  	_ =	shalt  }
0x72: {  	_ =	shalt  }
0x73: {  	_ =	shalt  }
0x74: {  	_ =	shalt  }
0x75: {  	_ =	shalt  }
0x76: {  	_ =	shalt  }
0x77: {  	_ =	shalt  }
0x78: {  	_ =	shalt  }
0x79: {  	_ =	shalt  }
0x7a: {  	_ =	shalt  }
0x7b: {  	_ =	shalt  }
0x7c: {  	_ =	shalt  }
0x7d: {  	_ =	shalt  }
0x7e: {  	_ =	shalt  }
0x7f: {  	_ =	shalt  }
0x80: {  	_ =	shalt  }
0x81: {  	_ =	shalt  }
0x82: {  	_ =	shalt  }
0x83: {  	_ =	shalt  }
0x84: {  	_ =	shalt  }
0x85: {  	_ =	shalt  }
0x86: {  	_ =	shalt  }
0x87: {  	_ =	shalt  }
.Lfunc_end0:
.L_simem_size_0:
called_computation.1_lowered:
.L_overlay_start_0:
0x88: {  	s2 =	sld [smem:$0x3FD9]  }
0x89: {  	s3 =	sld [smem:$0x3FFE];
	_ =	sdelay $0x1  }
0x8a: {  	s1 =	srdreg.scid  }
0x8b: {  	s0 =	sand.u32 $0x1, s1  }
0x8c: {  	s17 =	sshll.u32 s0, $0xA;
	s2 =	sadd.s32 s3, s2  }
0x8d: {  	s2 =	sadd.s32 s2, s17  }
0x8e: {  	[smem:$0x3FC0] =	sst s2  }
0x8f: {  	_ = 	snop  }
0x90: {  	s18 =	sld [smem:$0x3FC9];
	(tm) =	ssettm $0x1  }
0x91: {  	s19 =	sld [smem:$0x3FFB];
	_ =	sdelay $0x3  }
0x92: {  	_ =	strace s19  }
0x93: {  	s2 =	sld [smem:$0x3FFC];
	_ =	sdelay $0x3  }
0x94: {  	_ =	strace s2  }
0x95: {  	s2 =	sld [smem:$0x3FFD];
	_ =	sdelay $0x3  }
0x96: {  	_ =	strace s2  }
0x97: {  	_ =	strace $0x8FFFFFFF  }
0x98: {  	s20 =	sld [smem:$0x3FDB];
	_ =	sdelay $0x1  }
0x99: {  	s4 =	simm.s32 $_scs_section_size  }
0x9a: {  	s5 =	simm.s32 $_size__tile_overlayer_lowered;
	s6 =	simm.s32 $_tile_overlayer_lowered  }
0x9b: {  	s7 =	simm.s32 $0x1BFF;
	s21 =	sshll.u32 s6, $0x1;
	s4 =	sadd.s32 s4, s20  }
0x9c: {  	s22 =	simm.s32 $0x0;
	s5 =	sshll.u32 s5, $0x1;
	s6 =	sadd.s32 s21, s4  }
0x9d: {  	[timem:s22], [sflag:s7] =	dma.local [hbm:s6], s5  }
0x9e: {  	_ =	swait.ge [sflag:s7], s5  }
0x9f: {  	s5 =	ssub.s32 $0x0, s5;
	[sflag:s7] =	ssyncset.done $0x0  }
0xa0: {  	[sflag:s7] =	ssyncadd.s32 s5;
	_ =	sdelay $0x1  }
0xa1: {  	s23 =	simm.s32 $0x1B8B  }
0xa2: {  	_ =	swait.ge [sflag:s23], $0x1  }
0xa3: {  	[sflag:s23] =	ssyncset.done $0x0  }
0xa4: {  	[sflag:s23] =	ssyncadd.s32 $0xFFFFFFFF  }
0xa5: {  	s5 =	sld [smem:$0x0]  }
0xa6: {  	s6 =	sand.u32 $0xFFFFFFFE, s1  }
0xa7: {  	p0 =	sne.s32 s1, s6  }
0xa8: {  	s6 =	sshll.u32 @p0 s6, $0xE  }
0xa9: {  	s6 =	sadd.s32 @p0 $0x11B8D, s6;
	s7 =	sshll.u32 @p0 s5, $0x11  }
0xaa: {  	s6 =	sor.u32 @p0 s7, s6  }
0xab: {  	[sflag:s6] =	ssyncadd.remote.s32 @p0 $0x1;
	_ =	sdelay $0x1  }
0xac: {  	s6 =	simm.s32 @p0 $0x1B8D  }
0xad: {  	_ =	swait.eq @p0 [sflag:s6], $0x1  }
0xae: {  	[sflag:s6] =	ssyncadd.s32 @p0 $0xFFFFFFFF  }
0xaf: {  	s7 =	sshll.u32 @!p0 s1, $0xE  }
0xb0: {  	s7 =	sor.u32 @!p0 $0x4000, s7;
	s6 =	simm.s32 @!p0 $0x1B8D  }
0xb1: {  	s5 =	sshll.u32 @!p0 s5, $0x11;
	s7 =	sadd.s32 @!p0 $0x11B8D, s7;
	_ =	swait.eq @!p0 [sflag:s6], $0x1  }
0xb2: {  	s5 =	sor.u32 @!p0 s5, s7;
	[sflag:s6] =	ssyncadd.s32 @!p0 $0xFFFFFFFF  }
0xb3: {  	s25 =	simm.s32 $0x1B8E;
	s24 =	sld [smem:$0x3FFE];
	[sflag:s5] =	ssyncadd.remote.s32 @!p0 $0x1  }
0xb4: {  	s26 =	simm.s32 $execute0_lowered;
	[smem:$0x3FD2] =	sst s25  }
0xb5: {  	s6 =	sshll.u32 s26, $0x1;
	_ =	strace $0x80000049;
	[dreg:$0x1] =	wrdreg $0xFFFFFFFF  }
0xb6: {  	s28 =	simm.s32 $_size_execute0_lowered;
	s4 =	sadd.s32 s4, s6;
	[dreg:$0x0] =	wrdreg $0x0  }
0xb7: {  	s6 =	sshll.u32 s28, $0x1;
	[dreg:$0x2] =	wrdreg s4  }
0xb8: {  	[dreg:$0x3] =	wrdreg s6  }
0xb9: {  	[dreg:$0x4] =	wrdreg $0xC0  }
0xba: {  	_ =	task [dreg:s22], $0x5FFFF  }
0xbb: {  	[dreg:$0x1] =	wrdreg $0xFFFFFFFF  }
0xbc: {  	[dreg:$0x0] =	wrdreg $0x60  }
0xbd: {  	[dreg:$0x2] =	wrdreg s18  }
0xbe: {  	[dreg:$0x3] =	wrdreg s24  }
0xbf: {  	[dreg:$0x4] =	wrdreg $0x0  }
0xc0: {  	[dreg:$0x5] =	wrdreg $0xA  }
0xc1: {  	_ =	task.clear_ibuf [dreg:s22], $0x6FFFF;
	_ =	strace $0x90000049  }
0xc2: {  	s29 =	simm.s32 $0xA;
	_ =	strace $0x8000004B  }
0xc3: {  	_ =	swait.ge [sflag:s29], $0x1  }
0xc4: {  	[sflag:s29] =	ssyncadd.s32 $0xFFFFFFFF  }
0xc5: {  	_ =	strace $0x9000004B  }
0xc6: {  	_ =	sfence  }
0xc7: {  	s30 =	sld [smem:$0x0];
	_ =	sdelay $0x2  }
0xc8: {  	s31 =	sshll.u32 s1, $0xD;
	s1 =	sshrl.u32 s1, $0x2  }
0xc9: {  	s4 =	sand.u32 $0x4000, s31;
	s1 =	sadd.s32 s1, s30  }
0xca: {  	s0 =	sor.u32 s4, s0;
	s1 =	sshll.u32 s1, $0x11  }
0xcb: {  	s0 =	sor.u32 s1, s0  }
0xcc: {  	s0 =	sadd.s32 $0x8F2B, s0  }
0xcd: {  	[sflag:s0] =	ssyncadd.remote.s32 $0x1  }
0xce: {  	_ =	sfence.sel $0xFFFF  }
0xcf: {  	[dreg:$0x0] =	wrdreg $0xFFFFFFFF;
	(pc) =	sbr.abs _section_cstart, $3  }
0xd0: {  	[dreg:$0x1] =	wrdreg $0xFFFFFFFF  }
0xd1: {  	_ =	task.clear_ibuf [dreg:s22], $0x2FFFF;
	_ =	strace $0x9FFFFFFF  }
0xd2: {  	(tm) =	ssettm $0x7FFFFFFF  }
0xd3: {  	_ =	shalt  }
tec
execute0_lowered:
.L_overlay_start_1:
0x0: {  	(tag) =	ssettag $0x1  }
0x1: {  	s1 =	rddreg [dreg:$0x0]  }
0x2: {  	s0 =	srdreg.scid;
	s2 =	rddreg [dreg:$0x1]  }
0x3: {  	s9 =	stileid.u32;
	s3 =	rddreg [dreg:$0x2];
	s4 =	simm.s32 $0x0  }
0x4: {  	s12 =	simm.s32 $0x13C80;
	s14 =	simm.s32 $0x14480;
	s15 =	simm.s32 $0x13D00  }
0x5: {  	s16 =	simm.s32 $0x13D80;
	s17 =	simm.s32 $0x14500;
	s18 =	simm.s32 $0x14580  }
0x6: {  	s19 =	simm.s32 $0x13E00;
	s20 =	simm.s32 $0x13E80;
	[smem:$0x7FF] =	sst s4  }
0x7: {  	s21 =	simm.s32 $0x14600;
	_ =	strace $0x8000004A;
	[dreg:$0x6] =	wrdreg s12  }
0x8: {  	s22 =	simm.s32 $0x14680;
	s23 =	simm.s32 $0x13F00;
	[dreg:$0x7] =	wrdreg s14  }
0x9: {  	s24 =	simm.s32 $0x13F80;
	s28 =	simm.s32 $0x14280;
	[dreg:$0x8] =	wrdreg s15  }
0xa: {  	s29 =	simm.s32 $0x14A00;
	s30 =	simm.s32 $0x14A80;
	[dreg:$0x9] =	wrdreg s16  }
0xb: {  	s31 =	simm.s32 $0x14300;
	s6 =	smul.u32 $0x5000, s9;
	[dreg:$0xa] =	wrdreg s17  }
0xc: {  	s0 =	sand.u32 $0x1, s0;
	s25 =	smul.u32 $0x2780, s9;
	[dreg:$0xb] =	wrdreg s18  }
0xd: {  	s8 =	smul.u32 $0x4F000, s9;
	s13 =	sshll.u32 s9, $0x6;
	[dreg:$0xc] =	wrdreg s19  }
0xe: {  	s9 =	simm.s32 $0x0;
	s5 =	smul.u32 $0x50000, s0;
	[dreg:$0xd] =	wrdreg s20  }
0xf: {  	s7 =	smul.u32 $0x27800, s0;
	s0 =	ssub.s32 $0x2, s0;
	[dreg:$0xe] =	wrdreg s21  }
0x10: {  	s12 =	simm.s32 $0x14400;
	s14 =	simm.s32 $0x14C00;
	[dreg:$0xf] =	wrdreg s22  }
0x11: {  	s15 =	simm.s32 $0x16C00;
	[dreg:$0x10] =	wrdreg s23;
	s16 =	simm.s32 $0x1  }
0x12: {  	[dreg:$0x11] =	wrdreg s24;
	s17 =	simm.s32 $0x2;
	s18 =	simm.s32 $0x14000  }
0x13: {  	s19 =	simm.s32 $0x14080;
	s20 =	simm.s32 $0x14800;
	s21 =	simm.s32 $0x14880  }
0x14: {  	s22 =	simm.s32 $0x14100;
	s23 =	simm.s32 $0x14180;
	s24 =	simm.s32 $0x14900  }
0x15: {  	s26 =	sshrl.u32 s0, $0x1;
	s10 =	sshrl.u32 s8, $0x2;
	s8 =	sor.u32 $0x1C03, s13  }
0x16: {  	s13 =	simm.s32 $0x40;
	s5 =	sadd.s32 s6, s5;
	s7 =	sadd.s32 s25, s7  }
0x17: {  	s6 =	sadd.s32 s25, s2;
	s0 =	ssub.s32 s0, s26;
	s25 =	simm.s32 $0x14700  }
0x18: {  	s26 =	simm.s32 $0x14780;
	[dreg:$0x15] =	wrdreg s8;
	s5 =	sshrl.u32 s5, $0x3  }
0x19: {  	s6 =	sadd.s32 $0x15E00, s6;
	s0 =	smax.u32 s0, $0x1;
	[dreg:$0x12] =	wrdreg s25  }
0x1a: {  	[dreg:$0x13] =	wrdreg s26;
	s25 =	simm.s32 $0x14980;
	s26 =	simm.s32 $0x14200  }
0x1b: {  	s5 =	sadd.s32 s5, s2;
	s2 =	sadd.s32 s7, s2;
	[dreg:$0x14] =	wrdreg s6  }
0x1c: {  	s7 =	sadd.s32 s10, s3;
	[dreg:$0x17] =	wrdreg s0;
	s11 =	sadd.s32 $0x1E00, s5  }
0x1d: {  	s10 =	simm.s32 $0x3;
	s5 =	sadd.s32 $0x8C600, s5;
	[dreg:$0x4] =	wrdreg s11  }
0x1e: {  	s0 =	simm.s32 $0x14B00;
	s2 =	sadd.s32 $0xA0600, s2;
	[dreg:$0x5] =	wrdreg s5  }
0x1f: {  	s7 =	sshrl.u32 s7, $0x3;
	[dreg:$0x16] =	wrdreg s2;
	s11 =	simm.s32 $0x13C00  }
0x20: {  	s2 =	simm.s32 $0x14380;
	s5 =	simm.s32 $0x14B80;
	[dreg:$0x18] =	wrdreg s7  }
.LBB2_1:
0x21: {  	[dreg:$0x19] =	wrdreg s9  }
0x22: {  	s6 =	rddreg [dreg:$0x14]  }
0x23: {  	[spmem:s7], [sflag:s8] =	dma.local [hbm:s6], $0x2780  }
0x24: {  	_ =	swait.ge [sflag:s10], $0x2780  }
0x25: {  	[sflag:s10] =	ssyncset.done $0x0  }
0x26: {  	[sflag:s10] =	ssyncadd.s32 $0xFFFFD880  }
0x27: {  	[bflag:$0x0] =	sbarrier.arrive $0xFFFF  }
0x28: {  	s8 =	rddreg [dreg:$0x5]  }
0x29: {  	s6 =	sadd.s32 $0x0, s8  }
0x2a: {  	[tilespmem:s11], [sflag:$0x3] =	stream.linear.gather [hbm4b:s6+s4], $0x800, $0x38;
	[tilespmem:$0x18C00] =	vst v63  }
0x2b: {  	_ =	swait.ge [sflag:s10], $0x800  }
0x2c: {  	s9 =	rddreg [dreg:$0x4];
	[sflag:s10] =	ssyncset.done $0x0  }
0x2d: {  	[sflag:s10] =	ssyncadd.s32 $0xFFFFF800;
	s6 =	sadd.s32 $0x0, s9  }
0x2e: {  	[tilespmem:s12], [sflag:$0x3] =	stream.linear.gather [hbm4b:s6+s4], $0x800, $0x38;
	[tilespmem:$0x18C00] =	vst v63  }
0x2f: {  	_ =	swait.ge [sflag:s10], $0x800  }
0x30: {  	[sflag:s10] =	ssyncset.done $0x0  }
0x31: {  	[sflag:s10] =	ssyncadd.s32 $0xFFFFF800  }
0x32: {  	[tilespmem:s14], [sflag:$0x1] =	stream.indirect.gather [hbm4b:s1+s13], $0x80, s11, s13, $0xb8;
	[tilespmem:$0x18C00] =	vst v63  }
0x33: {  	s7 =	rddreg [dreg:$0x6]  }
0x34: {  	[tilespmem:s15], [sflag:$0x2] =	stream.indirect.gather [hbm4b:s1+s13], $0x80, s7, s13, $0xb8;
	[tilespmem:$0x18C00] =	vst v63  }
0x35: {  	_ =	swait.ge [sflag:s16], $0x2000  }
0x36: {  	[sflag:s16] =	ssyncset.done $0x0  }
0x37: {  	[sflag:s16] =	ssyncadd.s32 $0xFFFFE000  }
0x38: {  	[spmem:s3] =	stream.indirect.scatter.add.f32 [tilespmem:s14], [sflag:$0x3], $0x80, s12, s13, $0xb8;
	[tilespmem:$0x18C00] =	vst v63  }
0x39: {  	_ =	swait.ge [sflag:s10], $0x2000  }
0x3a: {  	[sflag:s10] =	ssyncset.done $0x0  }
0x3b: {  	[sflag:s10] =	ssyncadd.s32 $0xFFFFE000  }
0x3c: {  	_ =	swait.ge [sflag:s17], $0x2000  }
0x3d: {  	[sflag:s17] =	ssyncset.done $0x0  }
0x3e: {  	s8 =	rddreg [dreg:$0x7];
	[sflag:s17] =	ssyncadd.s32 $0xFFFFE000  }
0x3f: {  	[spmem:s3] =	stream.indirect.scatter.add.f32 [tilespmem:s15], [sflag:$0x3], $0x80, s8, s13, $0xb8;
	[tilespmem:$0x18C00] =	vst v63  }
0x40: {  	_ =	swait.ge [sflag:s10], $0x2000  }
0x41: {  	[sflag:s10] =	ssyncset.done $0x0  }
0x42: {  	s9 =	rddreg [dreg:$0x8];
	[sflag:s10] =	ssyncadd.s32 $0xFFFFE000  }
0x43: {  	[tilespmem:s14], [sflag:$0x1] =	stream.indirect.gather [hbm4b:s1+s13], $0x80, s9, s13, $0xb8;
	[tilespmem:$0x18C00] =	vst v63  }
0x44: {  	s7 =	rddreg [dreg:$0x9]  }
0x45: {  	[tilespmem:s15], [sflag:$0x2] =	stream.indirect.gather [hbm4b:s1+s13], $0x80, s7, s13, $0xb8;
	[tilespmem:$0x18C00] =	vst v63  }
0x46: {  	_ =	swait.ge [sflag:s16], $0x2000  }
0x47: {  	[sflag:s16] =	ssyncset.done $0x0  }
0x48: {  	s9 =	rddreg [dreg:$0xa];
	[sflag:s16] =	ssyncadd.s32 $0xFFFFE000  }
0x49: {  	[spmem:s3] =	stream.indirect.scatter.add.f32 [tilespmem:s14], [sflag:$0x3], $0x80, s9, s13, $0xb8;
	[tilespmem:$0x18C00] =	vst v63  }
0x4a: {  	_ =	swait.ge [sflag:s10], $0x2000  }
0x4b: {  	[sflag:s10] =	ssyncset.done $0x0  }
0x4c: {  	[sflag:s10] =	ssyncadd.s32 $0xFFFFE000  }
0x4d: {  	_ =	swait.ge [sflag:s17], $0x2000  }
0x4e: {  	[sflag:s17] =	ssyncset.done $0x0  }
0x4f: {  	s7 =	rddreg [dreg:$0xb];
	[sflag:s17] =	ssyncadd.s32 $0xFFFFE000  }
0x50: {  	[spmem:s3] =	stream.indirect.scatter.add.f32 [tilespmem:s15], [sflag:$0x3], $0x80, s7, s13, $0xb8;
	[tilespmem:$0x18C00] =	vst v63  }
0x51: {  	_ =	swait.ge [sflag:s10], $0x2000  }
0x52: {  	[sflag:s10] =	ssyncset.done $0x0  }
0x53: {  	s8 =	rddreg [dreg:$0xc];
	[sflag:s10] =	ssyncadd.s32 $0xFFFFE000  }
0x54: {  	[tilespmem:s14], [sflag:$0x1] =	stream.indirect.gather [hbm4b:s1+s13], $0x80, s8, s13, $0xb8;
	[tilespmem:$0x18C00] =	vst v63  }
0x55: {  	s9 =	rddreg [dreg:$0xd]  }
0x56: {  	[tilespmem:s15], [sflag:$0x2] =	stream.indirect.gather [hbm4b:s1+s13], $0x80, s9, s13, $0xb8;
	[tilespmem:$0x18C00] =	vst v63  }
0x57: {  	_ =	swait.ge [sflag:s16], $0x2000  }
0x58: {  	[sflag:s16] =	ssyncset.done $0x0  }
0x59: {  	s7 =	rddreg [dreg:$0xe];
	[sflag:s16] =	ssyncadd.s32 $0xFFFFE000  }
0x5a: {  	[spmem:s3] =	stream.indirect.scatter.add.f32 [tilespmem:s14], [sflag:$0x3], $0x80, s7, s13, $0xb8;
	[tilespmem:$0x18C00] =	vst v63  }
0x5b: {  	_ =	swait.ge [sflag:s10], $0x2000  }
0x5c: {  	[sflag:s10] =	ssyncset.done $0x0  }
0x5d: {  	[sflag:s10] =	ssyncadd.s32 $0xFFFFE000  }
0x5e: {  	_ =	swait.ge [sflag:s17], $0x2000  }
0x5f: {  	[sflag:s17] =	ssyncset.done $0x0  }
0x60: {  	s8 =	rddreg [dreg:$0xf];
	[sflag:s17] =	ssyncadd.s32 $0xFFFFE000  }
0x61: {  	[spmem:s3] =	stream.indirect.scatter.add.f32 [tilespmem:s15], [sflag:$0x3], $0x80, s8, s13, $0xb8;
	[tilespmem:$0x18C00] =	vst v63  }
0x62: {  	_ =	swait.ge [sflag:s10], $0x2000  }
0x63: {  	[sflag:s10] =	ssyncset.done $0x0  }
0x64: {  	s9 =	rddreg [dreg:$0x10];
	[sflag:s10] =	ssyncadd.s32 $0xFFFFE000  }
0x65: {  	[tilespmem:s14], [sflag:$0x1] =	stream.indirect.gather [hbm4b:s1+s13], $0x80, s9, s13, $0xb8;
	[tilespmem:$0x18C00] =	vst v63  }
0x66: {  	s7 =	rddreg [dreg:$0x11]  }
0x67: {  	[tilespmem:s15], [sflag:$0x2] =	stream.indirect.gather [hbm4b:s1+s13], $0x80, s7, s13, $0xb8;
	[tilespmem:$0x18C00] =	vst v63  }
0x68: {  	_ =	swait.ge [sflag:s16], $0x2000  }
0x69: {  	[sflag:s16] =	ssyncset.done $0x0  }
0x6a: {  	s8 =	rddreg [dreg:$0x12];
	[sflag:s16] =	ssyncadd.s32 $0xFFFFE000  }
0x6b: {  	[spmem:s3] =	stream.indirect.scatter.add.f32 [tilespmem:s14], [sflag:$0x3], $0x80, s8, s13, $0xb8;
	[tilespmem:$0x18C00] =	vst v63  }
0x6c: {  	_ =	swait.ge [sflag:s10], $0x2000  }
0x6d: {  	[sflag:s10] =	ssyncset.done $0x0  }
0x6e: {  	[sflag:s10] =	ssyncadd.s32 $0xFFFFE000  }
0x6f: {  	_ =	swait.ge [sflag:s17], $0x2000  }
0x70: {  	[sflag:s17] =	ssyncset.done $0x0  }
0x71: {  	s9 =	rddreg [dreg:$0x13];
	[sflag:s17] =	ssyncadd.s32 $0xFFFFE000  }
0x72: {  	[spmem:s3] =	stream.indirect.scatter.add.f32 [tilespmem:s15], [sflag:$0x3], $0x80, s9, s13, $0xb8;
	[tilespmem:$0x18C00] =	vst v63  }
0x73: {  	_ =	swait.ge [sflag:s10], $0x2000  }
0x74: {  	[sflag:s10] =	ssyncset.done $0x0  }
0x75: {  	[sflag:s10] =	ssyncadd.s32 $0xFFFFE000  }
0x76: {  	[tilespmem:s14], [sflag:$0x1] =	stream.indirect.gather [hbm4b:s1+s13], $0x80, s18, s13, $0xb8;
	[tilespmem:$0x18C00] =	vst v63  }
0x77: {  	_ = 	snop  }
0x78: {  	[tilespmem:s15], [sflag:$0x2] =	stream.indirect.gather [hbm4b:s1+s13], $0x80, s19, s13, $0xb8;
	[tilespmem:$0x18C00] =	vst v63  }
0x79: {  	_ =	swait.ge [sflag:s16], $0x2000  }
0x7a: {  	[sflag:s16] =	ssyncset.done $0x0  }
0x7b: {  	[sflag:s16] =	ssyncadd.s32 $0xFFFFE000  }
0x7c: {  	[spmem:s3] =	stream.indirect.scatter.add.f32 [tilespmem:s14], [sflag:$0x3], $0x80, s20, s13, $0xb8;
	[tilespmem:$0x18C00] =	vst v63  }
0x7d: {  	_ =	swait.ge [sflag:s10], $0x2000  }
0x7e: {  	[sflag:s10] =	ssyncset.done $0x0  }
0x7f: {  	[sflag:s10] =	ssyncadd.s32 $0xFFFFE000  }
0x80: {  	_ =	swait.ge [sflag:s17], $0x2000  }
0x81: {  	[sflag:s17] =	ssyncset.done $0x0  }
0x82: {  	[sflag:s17] =	ssyncadd.s32 $0xFFFFE000  }
0x83: {  	[spmem:s3] =	stream.indirect.scatter.add.f32 [tilespmem:s15], [sflag:$0x3], $0x80, s21, s13, $0xb8;
	[tilespmem:$0x18C00] =	vst v63  }
0x84: {  	_ =	swait.ge [sflag:s10], $0x2000  }
0x85: {  	[sflag:s10] =	ssyncset.done $0x0  }
0x86: {  	[sflag:s10] =	ssyncadd.s32 $0xFFFFE000  }
0x87: {  	[tilespmem:s14], [sflag:$0x1] =	stream.indirect.gather [hbm4b:s1+s13], $0x80, s22, s13, $0xb8;
	[tilespmem:$0x18C00] =	vst v63  }
0x88: {  	_ = 	snop  }
0x89: {  	[tilespmem:s15], [sflag:$0x2] =	stream.indirect.gather [hbm4b:s1+s13], $0x80, s23, s13, $0xb8;
	[tilespmem:$0x18C00] =	vst v63  }
0x8a: {  	_ =	swait.ge [sflag:s16], $0x2000  }
0x8b: {  	[sflag:s16] =	ssyncset.done $0x0  }
0x8c: {  	[sflag:s16] =	ssyncadd.s32 $0xFFFFE000  }
0x8d: {  	[spmem:s3] =	stream.indirect.scatter.add.f32 [tilespmem:s14], [sflag:$0x3], $0x80, s24, s13, $0xb8;
	[tilespmem:$0x18C00] =	vst v63  }
0x8e: {  	_ =	swait.ge [sflag:s10], $0x2000  }
0x8f: {  	[sflag:s10] =	ssyncset.done $0x0  }
0x90: {  	[sflag:s10] =	ssyncadd.s32 $0xFFFFE000  }
0x91: {  	_ =	swait.ge [sflag:s17], $0x2000  }
0x92: {  	[sflag:s17] =	ssyncset.done $0x0  }
0x93: {  	[sflag:s17] =	ssyncadd.s32 $0xFFFFE000  }
0x94: {  	[spmem:s3] =	stream.indirect.scatter.add.f32 [tilespmem:s15], [sflag:$0x3], $0x80, s25, s13, $0xb8;
	[tilespmem:$0x18C00] =	vst v63  }
0x95: {  	_ =	swait.ge [sflag:s10], $0x2000  }
0x96: {  	[sflag:s10] =	ssyncset.done $0x0  }
0x97: {  	[sflag:s10] =	ssyncadd.s32 $0xFFFFE000  }
0x98: {  	[tilespmem:s14], [sflag:$0x1] =	stream.indirect.gather [hbm4b:s1+s13], $0x80, s26, s13, $0xb8;
	[tilespmem:$0x18C00] =	vst v63  }
0x99: {  	_ = 	snop  }
0x9a: {  	[tilespmem:s15], [sflag:$0x2] =	stream.indirect.gather [hbm4b:s1+s13], $0x80, s28, s13, $0xb8;
	[tilespmem:$0x18C00] =	vst v63  }
0x9b: {  	_ =	swait.ge [sflag:s16], $0x2000  }
0x9c: {  	[sflag:s16] =	ssyncset.done $0x0  }
0x9d: {  	[sflag:s16] =	ssyncadd.s32 $0xFFFFE000  }
0x9e: {  	[spmem:s3] =	stream.indirect.scatter.add.f32 [tilespmem:s14], [sflag:$0x3], $0x80, s29, s13, $0xb8;
	[tilespmem:$0x18C00] =	vst v63  }
0x9f: {  	_ =	swait.ge [sflag:s10], $0x2000  }
0xa0: {  	[sflag:s10] =	ssyncset.done $0x0  }
0xa1: {  	[sflag:s10] =	ssyncadd.s32 $0xFFFFE000  }
0xa2: {  	_ =	swait.ge [sflag:s17], $0x2000  }
0xa3: {  	[sflag:s17] =	ssyncset.done $0x0  }
0xa4: {  	[sflag:s17] =	ssyncadd.s32 $0xFFFFE000  }
0xa5: {  	[spmem:s3] =	stream.indirect.scatter.add.f32 [tilespmem:s15], [sflag:$0x3], $0x80, s30, s13, $0xb8;
	[tilespmem:$0x18C00] =	vst v63  }
0xa6: {  	_ =	swait.ge [sflag:s10], $0x2000  }
0xa7: {  	[sflag:s10] =	ssyncset.done $0x0  }
0xa8: {  	[sflag:s10] =	ssyncadd.s32 $0xFFFFE000  }
0xa9: {  	[tilespmem:s14], [sflag:$0x1] =	stream.indirect.gather [hbm4b:s1+s13], $0x80, s31, s13, $0xb8;
	[tilespmem:$0x18C00] =	vst v63  }
0xaa: {  	_ = 	snop  }
0xab: {  	[tilespmem:s15], [sflag:$0x2] =	stream.indirect.gather [hbm4b:s1+s13], $0x80, s2, s13, $0xb8;
	[tilespmem:$0x18C00] =	vst v63  }
0xac: {  	_ =	swait.ge [sflag:s16], $0x2000  }
0xad: {  	[sflag:s16] =	ssyncset.done $0x0  }
0xae: {  	[sflag:s16] =	ssyncadd.s32 $0xFFFFE000  }
0xaf: {  	[spmem:s3] =	stream.indirect.scatter.add.f32 [tilespmem:s14], [sflag:$0x3], $0x80, s0, s13, $0xb8;
	[tilespmem:$0x18C00] =	vst v63  }
0xb0: {  	_ =	swait.ge [sflag:s10], $0x2000  }
0xb1: {  	[sflag:s10] =	ssyncset.done $0x0  }
0xb2: {  	[sflag:s10] =	ssyncadd.s32 $0xFFFFE000  }
0xb3: {  	_ =	swait.ge [sflag:s17], $0x2000  }
0xb4: {  	[sflag:s17] =	ssyncset.done $0x0  }
0xb5: {  	[sflag:s17] =	ssyncadd.s32 $0xFFFFE000  }
0xb6: {  	[spmem:s3] =	stream.indirect.scatter.add.f32 [tilespmem:s15], [sflag:$0x3], $0x80, s5, s13, $0xb8;
	[tilespmem:$0x18C00] =	vst v63  }
0xb7: {  	s6 =	simm.s32 $0x200;
	_ =	swait.ge [sflag:s10], $0x2000  }
0xb8: {  	s8 =	simm.s32 $0x100;
	s9 =	rddreg [dreg:$0x5];
	[sflag:s10] =	ssyncset.done $0x0  }
.LBB2_2:
0xb9: {  	[sflag:s10] =	ssyncadd.s32 $0xFFFFE000;
	s9 =	sadd.s32 s8, s9  }
0xba: {  	[tilespmem:s11], [sflag:$0x3] =	stream.linear.gather [hbm4b:s9+s4], $0x800, $0x38;
	[tilespmem:$0x18C00] =	vst v63  }
0xbb: {  	_ =	swait.ge [sflag:s10], $0x800  }
0xbc: {  	s9 =	rddreg [dreg:$0x4];
	[sflag:s10] =	ssyncset.done $0x0  }
0xbd: {  	[sflag:s10] =	ssyncadd.s32 $0xFFFFF800;
	s9 =	sadd.s32 s8, s9  }
0xbe: {  	[tilespmem:s12], [sflag:$0x3] =	stream.linear.gather [hbm4b:s9+s4], $0x800, $0x38;
	[tilespmem:$0x18C00] =	vst v63  }
0xbf: {  	_ =	swait.ge [sflag:s10], $0x800  }
0xc0: {  	[sflag:s10] =	ssyncset.done $0x0  }
0xc1: {  	[sflag:s10] =	ssyncadd.s32 $0xFFFFF800  }
0xc2: {  	[tilespmem:s14], [sflag:$0x1] =	stream.indirect.gather [hbm4b:s1+s13], $0x80, s11, s13, $0xb8;
	[tilespmem:$0x18C00] =	vst v63  }
0xc3: {  	s9 =	rddreg [dreg:$0x6]  }
0xc4: {  	[tilespmem:s15], [sflag:$0x2] =	stream.indirect.gather [hbm4b:s1+s13], $0x80, s9, s13, $0xb8;
	[tilespmem:$0x18C00] =	vst v63  }
0xc5: {  	_ =	swait.ge [sflag:s16], $0x2000  }
0xc6: {  	[sflag:s16] =	ssyncset.done $0x0  }
0xc7: {  	[sflag:s16] =	ssyncadd.s32 $0xFFFFE000  }
0xc8: {  	[spmem:s3] =	stream.indirect.scatter.add.f32 [tilespmem:s14], [sflag:$0x3], $0x80, s12, s13, $0xb8;
	[tilespmem:$0x18C00] =	vst v63  }
0xc9: {  	_ =	swait.ge [sflag:s10], $0x2000  }
0xca: {  	[sflag:s10] =	ssyncset.done $0x0  }
0xcb: {  	[sflag:s10] =	ssyncadd.s32 $0xFFFFE000  }
0xcc: {  	_ =	swait.ge [sflag:s17], $0x2000  }
0xcd: {  	[sflag:s17] =	ssyncset.done $0x0  }
0xce: {  	s9 =	rddreg [dreg:$0x7];
	[sflag:s17] =	ssyncadd.s32 $0xFFFFE000  }
0xcf: {  	[spmem:s3] =	stream.indirect.scatter.add.f32 [tilespmem:s15], [sflag:$0x3], $0x80, s9, s13, $0xb8;
	[tilespmem:$0x18C00] =	vst v63  }
0xd0: {  	_ =	swait.ge [sflag:s10], $0x2000  }
0xd1: {  	s7 =	smov.u32 s6;
	[sflag:s10] =	ssyncset.done $0x0  }
0xd2: {  	s8 =	smov.u32 s7;
	s7 =	rddreg [dreg:$0x8];
	[sflag:s10] =	ssyncadd.s32 $0xFFFFE000  }
0xd3: {  	[tilespmem:s14], [sflag:$0x1] =	stream.indirect.gather [hbm4b:s1+s13], $0x80, s7, s13, $0xb8;
	[tilespmem:$0x18C00] =	vst v63  }
0xd4: {  	s9 =	rddreg [dreg:$0x9]  }
0xd5: {  	[tilespmem:s15], [sflag:$0x2] =	stream.indirect.gather [hbm4b:s1+s13], $0x80, s9, s13, $0xb8;
	[tilespmem:$0x18C00] =	vst v63  }
0xd6: {  	_ =	swait.ge [sflag:s16], $0x2000  }
0xd7: {  	[sflag:s16] =	ssyncset.done $0x0  }
0xd8: {  	s9 =	rddreg [dreg:$0xa];
	[sflag:s16] =	ssyncadd.s32 $0xFFFFE000  }
0xd9: {  	[spmem:s3] =	stream.indirect.scatter.add.f32 [tilespmem:s14], [sflag:$0x3], $0x80, s9, s13, $0xb8;
	[tilespmem:$0x18C00] =	vst v63  }
0xda: {  	_ =	swait.ge [sflag:s10], $0x2000  }
0xdb: {  	[sflag:s10] =	ssyncset.done $0x0  }
0xdc: {  	[sflag:s10] =	ssyncadd.s32 $0xFFFFE000  }
0xdd: {  	_ =	swait.ge [sflag:s17], $0x2000  }
0xde: {  	[sflag:s17] =	ssyncset.done $0x0  }
0xdf: {  	s9 =	rddreg [dreg:$0xb];
	[sflag:s17] =	ssyncadd.s32 $0xFFFFE000  }
0xe0: {  	[spmem:s3] =	stream.indirect.scatter.add.f32 [tilespmem:s15], [sflag:$0x3], $0x80, s9, s13, $0xb8;
	[tilespmem:$0x18C00] =	vst v63  }
0xe1: {  	_ =	swait.ge [sflag:s10], $0x2000  }
0xe2: {  	[sflag:s10] =	ssyncset.done $0x0  }
0xe3: {  	s7 =	rddreg [dreg:$0xc];
	[sflag:s10] =	ssyncadd.s32 $0xFFFFE000  }
0xe4: {  	[tilespmem:s14], [sflag:$0x1] =	stream.indirect.gather [hbm4b:s1+s13], $0x80, s7, s13, $0xb8;
	[tilespmem:$0x18C00] =	vst v63  }
0xe5: {  	s9 =	rddreg [dreg:$0xd]  }
0xe6: {  	[tilespmem:s15], [sflag:$0x2] =	stream.indirect.gather [hbm4b:s1+s13], $0x80, s9, s13, $0xb8;
	[tilespmem:$0x18C00] =	vst v63  }
0xe7: {  	_ =	swait.ge [sflag:s16], $0x2000  }
0xe8: {  	[sflag:s16] =	ssyncset.done $0x0  }
0xe9: {  	s9 =	rddreg [dreg:$0xe];
	[sflag:s16] =	ssyncadd.s32 $0xFFFFE000  }
0xea: {  	[spmem:s3] =	stream.indirect.scatter.add.f32 [tilespmem:s14], [sflag:$0x3], $0x80, s9, s13, $0xb8;
	[tilespmem:$0x18C00] =	vst v63  }
0xeb: {  	_ =	swait.ge [sflag:s10], $0x2000  }
0xec: {  	[sflag:s10] =	ssyncset.done $0x0  }
0xed: {  	[sflag:s10] =	ssyncadd.s32 $0xFFFFE000  }
0xee: {  	_ =	swait.ge [sflag:s17], $0x2000  }
0xef: {  	[sflag:s17] =	ssyncset.done $0x0  }
0xf0: {  	s9 =	rddreg [dreg:$0xf];
	[sflag:s17] =	ssyncadd.s32 $0xFFFFE000  }
0xf1: {  	[spmem:s3] =	stream.indirect.scatter.add.f32 [tilespmem:s15], [sflag:$0x3], $0x80, s9, s13, $0xb8;
	[tilespmem:$0x18C00] =	vst v63  }
0xf2: {  	_ =	swait.ge [sflag:s10], $0x2000  }
0xf3: {  	[sflag:s10] =	ssyncset.done $0x0  }
0xf4: {  	s7 =	rddreg [dreg:$0x10];
	[sflag:s10] =	ssyncadd.s32 $0xFFFFE000  }
0xf5: {  	[tilespmem:s14], [sflag:$0x1] =	stream.indirect.gather [hbm4b:s1+s13], $0x80, s7, s13, $0xb8;
	[tilespmem:$0x18C00] =	vst v63  }
0xf6: {  	s9 =	rddreg [dreg:$0x11]  }
0xf7: {  	[tilespmem:s15], [sflag:$0x2] =	stream.indirect.gather [hbm4b:s1+s13], $0x80, s9, s13, $0xb8;
	[tilespmem:$0x18C00] =	vst v63  }
0xf8: {  	_ =	swait.ge [sflag:s16], $0x2000  }
0xf9: {  	[sflag:s16] =	ssyncset.done $0x0  }
0xfa: {  	s9 =	rddreg [dreg:$0x12];
	[sflag:s16] =	ssyncadd.s32 $0xFFFFE000  }
0xfb: {  	[spmem:s3] =	stream.indirect.scatter.add.f32 [tilespmem:s14], [sflag:$0x3], $0x80, s9, s13, $0xb8;
	[tilespmem:$0x18C00] =	vst v63  }
0xfc: {  	_ =	swait.ge [sflag:s10], $0x2000  }
0xfd: {  	[sflag:s10] =	ssyncset.done $0x0  }
0xfe: {  	[sflag:s10] =	ssyncadd.s32 $0xFFFFE000  }
0xff: {  	_ =	swait.ge [sflag:s17], $0x2000  }
0x100: {  	[sflag:s17] =	ssyncset.done $0x0  }
0x101: {  	s9 =	rddreg [dreg:$0x13];
	[sflag:s17] =	ssyncadd.s32 $0xFFFFE000  }
0x102: {  	[spmem:s3] =	stream.indirect.scatter.add.f32 [tilespmem:s15], [sflag:$0x3], $0x80, s9, s13, $0xb8;
	[tilespmem:$0x18C00] =	vst v63  }
0x103: {  	_ =	swait.ge [sflag:s10], $0x2000  }
0x104: {  	[sflag:s10] =	ssyncset.done $0x0  }
0x105: {  	[sflag:s10] =	ssyncadd.s32 $0xFFFFE000  }
0x106: {  	[tilespmem:s14], [sflag:$0x1] =	stream.indirect.gather [hbm4b:s1+s13], $0x80, s18, s13, $0xb8;
	[tilespmem:$0x18C00] =	vst v63  }
0x107: {  	_ = 	snop  }
0x108: {  	[tilespmem:s15], [sflag:$0x2] =	stream.indirect.gather [hbm4b:s1+s13], $0x80, s19, s13, $0xb8;
	[tilespmem:$0x18C00] =	vst v63  }
0x109: {  	_ =	swait.ge [sflag:s16], $0x2000  }
0x10a: {  	[sflag:s16] =	ssyncset.done $0x0  }
0x10b: {  	[sflag:s16] =	ssyncadd.s32 $0xFFFFE000  }
0x10c: {  	[spmem:s3] =	stream.indirect.scatter.add.f32 [tilespmem:s14], [sflag:$0x3], $0x80, s20, s13, $0xb8;
	[tilespmem:$0x18C00] =	vst v63  }
0x10d: {  	_ =	swait.ge [sflag:s10], $0x2000  }
0x10e: {  	[sflag:s10] =	ssyncset.done $0x0  }
0x10f: {  	[sflag:s10] =	ssyncadd.s32 $0xFFFFE000  }
0x110: {  	_ =	swait.ge [sflag:s17], $0x2000  }
0x111: {  	[sflag:s17] =	ssyncset.done $0x0  }
0x112: {  	[sflag:s17] =	ssyncadd.s32 $0xFFFFE000  }
0x113: {  	[spmem:s3] =	stream.indirect.scatter.add.f32 [tilespmem:s15], [sflag:$0x3], $0x80, s21, s13, $0xb8;
	[tilespmem:$0x18C00] =	vst v63  }
0x114: {  	_ =	swait.ge [sflag:s10], $0x2000  }
0x115: {  	[sflag:s10] =	ssyncset.done $0x0  }
0x116: {  	[sflag:s10] =	ssyncadd.s32 $0xFFFFE000  }
0x117: {  	[tilespmem:s14], [sflag:$0x1] =	stream.indirect.gather [hbm4b:s1+s13], $0x80, s22, s13, $0xb8;
	[tilespmem:$0x18C00] =	vst v63  }
0x118: {  	_ = 	snop  }
0x119: {  	[tilespmem:s15], [sflag:$0x2] =	stream.indirect.gather [hbm4b:s1+s13], $0x80, s23, s13, $0xb8;
	[tilespmem:$0x18C00] =	vst v63  }
0x11a: {  	_ =	swait.ge [sflag:s16], $0x2000  }
0x11b: {  	[sflag:s16] =	ssyncset.done $0x0  }
0x11c: {  	[sflag:s16] =	ssyncadd.s32 $0xFFFFE000  }
0x11d: {  	[spmem:s3] =	stream.indirect.scatter.add.f32 [tilespmem:s14], [sflag:$0x3], $0x80, s24, s13, $0xb8;
	[tilespmem:$0x18C00] =	vst v63  }
0x11e: {  	_ =	swait.ge [sflag:s10], $0x2000  }
0x11f: {  	[sflag:s10] =	ssyncset.done $0x0  }
0x120: {  	[sflag:s10] =	ssyncadd.s32 $0xFFFFE000  }
0x121: {  	_ =	swait.ge [sflag:s17], $0x2000  }
0x122: {  	[sflag:s17] =	ssyncset.done $0x0  }
0x123: {  	[sflag:s17] =	ssyncadd.s32 $0xFFFFE000  }
0x124: {  	[spmem:s3] =	stream.indirect.scatter.add.f32 [tilespmem:s15], [sflag:$0x3], $0x80, s25, s13, $0xb8;
	[tilespmem:$0x18C00] =	vst v63  }
0x125: {  	_ =	swait.ge [sflag:s10], $0x2000  }
0x126: {  	[sflag:s10] =	ssyncset.done $0x0  }
0x127: {  	[sflag:s10] =	ssyncadd.s32 $0xFFFFE000  }
0x128: {  	[tilespmem:s14], [sflag:$0x1] =	stream.indirect.gather [hbm4b:s1+s13], $0x80, s26, s13, $0xb8;
	[tilespmem:$0x18C00] =	vst v63  }
0x129: {  	_ = 	snop  }
0x12a: {  	[tilespmem:s15], [sflag:$0x2] =	stream.indirect.gather [hbm4b:s1+s13], $0x80, s28, s13, $0xb8;
	[tilespmem:$0x18C00] =	vst v63  }
0x12b: {  	_ =	swait.ge [sflag:s16], $0x2000  }
0x12c: {  	[sflag:s16] =	ssyncset.done $0x0  }
0x12d: {  	[sflag:s16] =	ssyncadd.s32 $0xFFFFE000  }
0x12e: {  	[spmem:s3] =	stream.indirect.scatter.add.f32 [tilespmem:s14], [sflag:$0x3], $0x80, s29, s13, $0xb8;
	[tilespmem:$0x18C00] =	vst v63  }
0x12f: {  	_ =	swait.ge [sflag:s10], $0x2000  }
0x130: {  	[sflag:s10] =	ssyncset.done $0x0  }
0x131: {  	[sflag:s10] =	ssyncadd.s32 $0xFFFFE000  }
0x132: {  	_ =	swait.ge [sflag:s17], $0x2000  }
0x133: {  	[sflag:s17] =	ssyncset.done $0x0  }
0x134: {  	[sflag:s17] =	ssyncadd.s32 $0xFFFFE000  }
0x135: {  	[spmem:s3] =	stream.indirect.scatter.add.f32 [tilespmem:s15], [sflag:$0x3], $0x80, s30, s13, $0xb8;
	[tilespmem:$0x18C00] =	vst v63  }
0x136: {  	_ =	swait.ge [sflag:s10], $0x2000  }
0x137: {  	[sflag:s10] =	ssyncset.done $0x0  }
0x138: {  	[sflag:s10] =	ssyncadd.s32 $0xFFFFE000  }
0x139: {  	[tilespmem:s14], [sflag:$0x1] =	stream.indirect.gather [hbm4b:s1+s13], $0x80, s31, s13, $0xb8;
	[tilespmem:$0x18C00] =	vst v63  }
0x13a: {  	_ = 	snop  }
0x13b: {  	[tilespmem:s15], [sflag:$0x2] =	stream.indirect.gather [hbm4b:s1+s13], $0x80, s2, s13, $0xb8;
	[tilespmem:$0x18C00] =	vst v63  }
0x13c: {  	_ =	swait.ge [sflag:s16], $0x2000  }
0x13d: {  	[sflag:s16] =	ssyncset.done $0x0  }
0x13e: {  	[sflag:s16] =	ssyncadd.s32 $0xFFFFE000  }
0x13f: {  	[spmem:s3] =	stream.indirect.scatter.add.f32 [tilespmem:s14], [sflag:$0x3], $0x80, s0, s13, $0xb8;
	[tilespmem:$0x18C00] =	vst v63  }
0x140: {  	_ =	swait.ge [sflag:s10], $0x2000  }
0x141: {  	[sflag:s10] =	ssyncset.done $0x0  }
0x142: {  	[sflag:s10] =	ssyncadd.s32 $0xFFFFE000  }
0x143: {  	p0 =	sne.s32 s6, $0x900;
	_ =	swait.ge [sflag:s17], $0x2000  }
.Ltmp0:
0x144: {  	[sflag:s17] =	ssyncset.done $0x0;
	(pc) =	sbr.rel @p0 .LBB2_2-.Ltmp0, $4  }
0x145: {  	[sflag:s17] =	ssyncadd.s32 $0xFFFFE000  }
0x146: {  	[spmem:s3] =	stream.indirect.scatter.add.f32 [tilespmem:s15], [sflag:$0x3], $0x80, s5, s13, $0xb8;
	[tilespmem:$0x18C00] =	vst v63  }
0x147: {  	_ =	swait.ge [sflag:s10], $0x2000  }
0x148: {  	s6 =	sadd.s32 $0x100, s6;
	s9 =	rddreg [dreg:$0x5];
	[sflag:s10] =	ssyncset.done $0x0  }
0x149: {  	[sflag:s10] =	ssyncadd.s32 $0xFFFFE000;
	s6 =	sadd.s32 s8, s9  }
0x14a: {  	[tilespmem:s11], [sflag:$0x3] =	stream.linear.gather [hbm4b:s6+s4], $0x800, $0x38;
	[tilespmem:$0x18C00] =	vst v63  }
0x14b: {  	_ =	swait.ge [sflag:s10], $0x800  }
0x14c: {  	s9 =	rddreg [dreg:$0x4];
	[sflag:s10] =	ssyncset.done $0x0  }
0x14d: {  	[sflag:s10] =	ssyncadd.s32 $0xFFFFF800;
	s6 =	sadd.s32 s8, s9  }
0x14e: {  	[tilespmem:s12], [sflag:$0x3] =	stream.linear.gather [hbm4b:s6+s4], $0x800, $0x38;
	[tilespmem:$0x18C00] =	vst v63  }
0x14f: {  	_ =	swait.ge [sflag:s10], $0x800  }
0x150: {  	[sflag:s10] =	ssyncset.done $0x0  }
0x151: {  	[sflag:s10] =	ssyncadd.s32 $0xFFFFF800  }
0x152: {  	[tilespmem:s14], [sflag:$0x1] =	stream.indirect.gather [hbm4b:s1+s13], $0x80, s11, s13, $0xb8;
	[tilespmem:$0x18C00] =	vst v63  }
0x153: {  	s7 =	rddreg [dreg:$0x6]  }
0x154: {  	[tilespmem:s15], [sflag:$0x2] =	stream.indirect.gather [hbm4b:s1+s13], $0x80, s7, s13, $0xb8;
	[tilespmem:$0x18C00] =	vst v63  }
0x155: {  	_ =	swait.ge [sflag:s16], $0x2000  }
0x156: {  	[sflag:s16] =	ssyncset.done $0x0  }
0x157: {  	[sflag:s16] =	ssyncadd.s32 $0xFFFFE000  }
0x158: {  	[spmem:s3] =	stream.indirect.scatter.add.f32 [tilespmem:s14], [sflag:$0x3], $0x80, s12, s13, $0xb8;
	[tilespmem:$0x18C00] =	vst v63  }
0x159: {  	_ =	swait.ge [sflag:s10], $0x2000  }
0x15a: {  	[sflag:s10] =	ssyncset.done $0x0  }
0x15b: {  	[sflag:s10] =	ssyncadd.s32 $0xFFFFE000  }
0x15c: {  	_ =	swait.ge [sflag:s17], $0x2000  }
0x15d: {  	[sflag:s17] =	ssyncset.done $0x0  }
0x15e: {  	s8 =	rddreg [dreg:$0x7];
	[sflag:s17] =	ssyncadd.s32 $0xFFFFE000  }
0x15f: {  	[spmem:s3] =	stream.indirect.scatter.add.f32 [tilespmem:s15], [sflag:$0x3], $0x80, s8, s13, $0xb8;
	[tilespmem:$0x18C00] =	vst v63  }
0x160: {  	_ =	swait.ge [sflag:s10], $0x2000  }
0x161: {  	[sflag:s10] =	ssyncset.done $0x0  }
0x162: {  	s9 =	rddreg [dreg:$0x8];
	[sflag:s10] =	ssyncadd.s32 $0xFFFFE000  }
0x163: {  	[tilespmem:s14], [sflag:$0x1] =	stream.indirect.gather [hbm4b:s1+s13], $0x80, s9, s13, $0xb8;
	[tilespmem:$0x18C00] =	vst v63  }
0x164: {  	s7 =	rddreg [dreg:$0x9]  }
0x165: {  	[tilespmem:s15], [sflag:$0x2] =	stream.indirect.gather [hbm4b:s1+s13], $0x80, s7, s13, $0xb8;
	[tilespmem:$0x18C00] =	vst v63  }
0x166: {  	_ =	swait.ge [sflag:s16], $0x2000  }
0x167: {  	[sflag:s16] =	ssyncset.done $0x0  }
0x168: {  	s8 =	rddreg [dreg:$0xa];
	[sflag:s16] =	ssyncadd.s32 $0xFFFFE000  }
0x169: {  	[spmem:s3] =	stream.indirect.scatter.add.f32 [tilespmem:s14], [sflag:$0x3], $0x80, s8, s13, $0xb8;
	[tilespmem:$0x18C00] =	vst v63  }
0x16a: {  	_ =	swait.ge [sflag:s10], $0x2000  }
0x16b: {  	[sflag:s10] =	ssyncset.done $0x0  }
0x16c: {  	[sflag:s10] =	ssyncadd.s32 $0xFFFFE000  }
0x16d: {  	_ =	swait.ge [sflag:s17], $0x2000  }
0x16e: {  	[sflag:s17] =	ssyncset.done $0x0  }
0x16f: {  	s9 =	rddreg [dreg:$0xb];
	[sflag:s17] =	ssyncadd.s32 $0xFFFFE000  }
0x170: {  	[spmem:s3] =	stream.indirect.scatter.add.f32 [tilespmem:s15], [sflag:$0x3], $0x80, s9, s13, $0xb8;
	[tilespmem:$0x18C00] =	vst v63  }
0x171: {  	_ =	swait.ge [sflag:s10], $0x2000  }
0x172: {  	[sflag:s10] =	ssyncset.done $0x0  }
0x173: {  	s7 =	rddreg [dreg:$0xc];
	[sflag:s10] =	ssyncadd.s32 $0xFFFFE000  }
0x174: {  	[tilespmem:s14], [sflag:$0x1] =	stream.indirect.gather [hbm4b:s1+s13], $0x80, s7, s13, $0xb8;
	[tilespmem:$0x18C00] =	vst v63  }
0x175: {  	s8 =	rddreg [dreg:$0xd]  }
0x176: {  	[tilespmem:s15], [sflag:$0x2] =	stream.indirect.gather [hbm4b:s1+s13], $0x80, s8, s13, $0xb8;
	[tilespmem:$0x18C00] =	vst v63  }
0x177: {  	_ =	swait.ge [sflag:s16], $0x2000  }
0x178: {  	[sflag:s16] =	ssyncset.done $0x0  }
0x179: {  	s9 =	rddreg [dreg:$0xe];
	[sflag:s16] =	ssyncadd.s32 $0xFFFFE000  }
0x17a: {  	[spmem:s3] =	stream.indirect.scatter.add.f32 [tilespmem:s14], [sflag:$0x3], $0x80, s9, s13, $0xb8;
	[tilespmem:$0x18C00] =	vst v63  }
0x17b: {  	_ =	swait.ge [sflag:s10], $0x2000  }
0x17c: {  	[sflag:s10] =	ssyncset.done $0x0  }
0x17d: {  	[sflag:s10] =	ssyncadd.s32 $0xFFFFE000  }
0x17e: {  	_ =	swait.ge [sflag:s17], $0x2000  }
0x17f: {  	[sflag:s17] =	ssyncset.done $0x0  }
0x180: {  	s7 =	rddreg [dreg:$0xf];
	[sflag:s17] =	ssyncadd.s32 $0xFFFFE000  }
0x181: {  	[spmem:s3] =	stream.indirect.scatter.add.f32 [tilespmem:s15], [sflag:$0x3], $0x80, s7, s13, $0xb8;
	[tilespmem:$0x18C00] =	vst v63  }
0x182: {  	_ =	swait.ge [sflag:s10], $0x2000  }
0x183: {  	[sflag:s10] =	ssyncset.done $0x0  }
0x184: {  	s8 =	rddreg [dreg:$0x10];
	[sflag:s10] =	ssyncadd.s32 $0xFFFFE000  }
0x185: {  	[tilespmem:s14], [sflag:$0x1] =	stream.indirect.gather [hbm4b:s1+s13], $0x80, s8, s13, $0xb8;
	[tilespmem:$0x18C00] =	vst v63  }
0x186: {  	s9 =	rddreg [dreg:$0x11]  }
0x187: {  	[tilespmem:s15], [sflag:$0x2] =	stream.indirect.gather [hbm4b:s1+s13], $0x80, s9, s13, $0xb8;
	[tilespmem:$0x18C00] =	vst v63  }
0x188: {  	_ =	swait.ge [sflag:s16], $0x2000  }
0x189: {  	[sflag:s16] =	ssyncset.done $0x0  }
0x18a: {  	s7 =	rddreg [dreg:$0x12];
	[sflag:s16] =	ssyncadd.s32 $0xFFFFE000  }
0x18b: {  	[spmem:s3] =	stream.indirect.scatter.add.f32 [tilespmem:s14], [sflag:$0x3], $0x80, s7, s13, $0xb8;
	[tilespmem:$0x18C00] =	vst v63  }
0x18c: {  	_ =	swait.ge [sflag:s10], $0x2000  }
0x18d: {  	[sflag:s10] =	ssyncset.done $0x0  }
0x18e: {  	[sflag:s10] =	ssyncadd.s32 $0xFFFFE000  }
0x18f: {  	_ =	swait.ge [sflag:s17], $0x2000  }
0x190: {  	[sflag:s17] =	ssyncset.done $0x0  }
0x191: {  	s8 =	rddreg [dreg:$0x13];
	[sflag:s17] =	ssyncadd.s32 $0xFFFFE000  }
0x192: {  	[spmem:s3] =	stream.indirect.scatter.add.f32 [tilespmem:s15], [sflag:$0x3], $0x80, s8, s13, $0xb8;
	[tilespmem:$0x18C00] =	vst v63  }
0x193: {  	_ =	swait.ge [sflag:s10], $0x2000  }
0x194: {  	[sflag:s10] =	ssyncset.done $0x0  }
0x195: {  	[sflag:s10] =	ssyncadd.s32 $0xFFFFE000  }
0x196: {  	[tilespmem:s14], [sflag:$0x1] =	stream.indirect.gather [hbm4b:s1+s13], $0x80, s18, s13, $0xb8;
	[tilespmem:$0x18C00] =	vst v63  }
0x197: {  	_ = 	snop  }
0x198: {  	[tilespmem:s15], [sflag:$0x2] =	stream.indirect.gather [hbm4b:s1+s13], $0x80, s19, s13, $0xb8;
	[tilespmem:$0x18C00] =	vst v63  }
0x199: {  	_ =	swait.ge [sflag:s16], $0x2000  }
0x19a: {  	[sflag:s16] =	ssyncset.done $0x0  }
0x19b: {  	[sflag:s16] =	ssyncadd.s32 $0xFFFFE000  }
0x19c: {  	[spmem:s3] =	stream.indirect.scatter.add.f32 [tilespmem:s14], [sflag:$0x3], $0x80, s20, s13, $0xb8;
	[tilespmem:$0x18C00] =	vst v63  }
0x19d: {  	_ =	swait.ge [sflag:s10], $0x2000  }
0x19e: {  	[sflag:s10] =	ssyncset.done $0x0  }
0x19f: {  	[sflag:s10] =	ssyncadd.s32 $0xFFFFE000  }
0x1a0: {  	_ =	swait.ge [sflag:s17], $0x2000  }
0x1a1: {  	[sflag:s17] =	ssyncset.done $0x0  }
0x1a2: {  	[sflag:s17] =	ssyncadd.s32 $0xFFFFE000  }
0x1a3: {  	[spmem:s3] =	stream.indirect.scatter.add.f32 [tilespmem:s15], [sflag:$0x3], $0x80, s21, s13, $0xb8;
	[tilespmem:$0x18C00] =	vst v63  }
0x1a4: {  	_ =	swait.ge [sflag:s10], $0x2000  }
0x1a5: {  	[sflag:s10] =	ssyncset.done $0x0  }
0x1a6: {  	[sflag:s10] =	ssyncadd.s32 $0xFFFFE000  }
0x1a7: {  	[tilespmem:s14], [sflag:$0x1] =	stream.indirect.gather [hbm4b:s1+s13], $0x80, s22, s13, $0xb8;
	[tilespmem:$0x18C00] =	vst v63  }
0x1a8: {  	_ = 	snop  }
0x1a9: {  	[tilespmem:s15], [sflag:$0x2] =	stream.indirect.gather [hbm4b:s1+s13], $0x80, s23, s13, $0xb8;
	[tilespmem:$0x18C00] =	vst v63  }
0x1aa: {  	_ =	swait.ge [sflag:s16], $0x2000  }
0x1ab: {  	[sflag:s16] =	ssyncset.done $0x0  }
0x1ac: {  	[sflag:s16] =	ssyncadd.s32 $0xFFFFE000  }
0x1ad: {  	[spmem:s3] =	stream.indirect.scatter.add.f32 [tilespmem:s14], [sflag:$0x3], $0x80, s24, s13, $0xb8;
	[tilespmem:$0x18C00] =	vst v63  }
0x1ae: {  	_ =	swait.ge [sflag:s10], $0x2000  }
0x1af: {  	[sflag:s10] =	ssyncset.done $0x0  }
0x1b0: {  	[sflag:s10] =	ssyncadd.s32 $0xFFFFE000  }
0x1b1: {  	_ =	swait.ge [sflag:s17], $0x2000  }
0x1b2: {  	[sflag:s17] =	ssyncset.done $0x0  }
0x1b3: {  	[sflag:s17] =	ssyncadd.s32 $0xFFFFE000  }
0x1b4: {  	[spmem:s3] =	stream.indirect.scatter.add.f32 [tilespmem:s15], [sflag:$0x3], $0x80, s25, s13, $0xb8;
	[tilespmem:$0x18C00] =	vst v63  }
0x1b5: {  	_ =	swait.ge [sflag:s10], $0x2000  }
0x1b6: {  	[sflag:s10] =	ssyncset.done $0x0  }
0x1b7: {  	[sflag:s10] =	ssyncadd.s32 $0xFFFFE000  }
0x1b8: {  	[tilespmem:s14], [sflag:$0x1] =	stream.indirect.gather [hbm4b:s1+s13], $0x80, s26, s13, $0xb8;
	[tilespmem:$0x18C00] =	vst v63  }
0x1b9: {  	_ = 	snop  }
0x1ba: {  	[tilespmem:s15], [sflag:$0x2] =	stream.indirect.gather [hbm4b:s1+s13], $0x80, s28, s13, $0xb8;
	[tilespmem:$0x18C00] =	vst v63  }
0x1bb: {  	_ =	swait.ge [sflag:s16], $0x2000  }
0x1bc: {  	[sflag:s16] =	ssyncset.done $0x0  }
0x1bd: {  	[sflag:s16] =	ssyncadd.s32 $0xFFFFE000  }
0x1be: {  	[spmem:s3] =	stream.indirect.scatter.add.f32 [tilespmem:s14], [sflag:$0x3], $0x80, s29, s13, $0xb8;
	[tilespmem:$0x18C00] =	vst v63  }
0x1bf: {  	_ =	swait.ge [sflag:s10], $0x2000  }
0x1c0: {  	[sflag:s10] =	ssyncset.done $0x0  }
0x1c1: {  	[sflag:s10] =	ssyncadd.s32 $0xFFFFE000  }
0x1c2: {  	_ =	swait.ge [sflag:s17], $0x2000  }
0x1c3: {  	[sflag:s17] =	ssyncset.done $0x0  }
0x1c4: {  	[sflag:s17] =	ssyncadd.s32 $0xFFFFE000  }
0x1c5: {  	[spmem:s3] =	stream.indirect.scatter.add.f32 [tilespmem:s15], [sflag:$0x3], $0x80, s30, s13, $0xb8;
	[tilespmem:$0x18C00] =	vst v63  }
0x1c6: {  	_ =	swait.ge [sflag:s10], $0x2000  }
0x1c7: {  	[sflag:s10] =	ssyncset.done $0x0  }
0x1c8: {  	[sflag:s10] =	ssyncadd.s32 $0xFFFFE000  }
0x1c9: {  	[tilespmem:s14], [sflag:$0x1] =	stream.indirect.gather [hbm4b:s1+s13], $0x80, s31, s13, $0xb8;
	[tilespmem:$0x18C00] =	vst v63  }
0x1ca: {  	_ = 	snop  }
0x1cb: {  	[tilespmem:s15], [sflag:$0x2] =	stream.indirect.gather [hbm4b:s1+s13], $0x80, s2, s13, $0xb8;
	[tilespmem:$0x18C00] =	vst v63  }
0x1cc: {  	_ =	swait.ge [sflag:s16], $0x2000  }
0x1cd: {  	[sflag:s16] =	ssyncset.done $0x0  }
0x1ce: {  	[sflag:s16] =	ssyncadd.s32 $0xFFFFE000  }
0x1cf: {  	[spmem:s3] =	stream.indirect.scatter.add.f32 [tilespmem:s14], [sflag:$0x3], $0x80, s0, s13, $0xb8;
	[tilespmem:$0x18C00] =	vst v63  }
0x1d0: {  	_ =	swait.ge [sflag:s10], $0x2000  }
0x1d1: {  	[sflag:s10] =	ssyncset.done $0x0  }
0x1d2: {  	[sflag:s10] =	ssyncadd.s32 $0xFFFFE000  }
0x1d3: {  	_ =	swait.ge [sflag:s17], $0x2000  }
0x1d4: {  	[sflag:s17] =	ssyncset.done $0x0  }
0x1d5: {  	[sflag:s17] =	ssyncadd.s32 $0xFFFFE000  }
0x1d6: {  	[spmem:s3] =	stream.indirect.scatter.add.f32 [tilespmem:s15], [sflag:$0x3], $0x80, s5, s13, $0xb8;
	[tilespmem:$0x18C00] =	vst v63  }
0x1d7: {  	_ =	swait.ge [sflag:s10], $0x2000  }
0x1d8: {  	[sflag:s10] =	ssyncset.done $0x0  }
0x1d9: {  	[sflag:s10] =	ssyncadd.s32 $0xFFFFE000  }
0x1da: {  	[bflag:$0x0] =	sbarrier.arrive $0xFFFF  }
0x1db: {  	s8 =	rddreg [dreg:$0x15]  }
0x1dc: {  	s9 =	rddreg [dreg:$0x16]  }
0x1dd: {  	s7 =	rddreg [dreg:$0x18]  }
0x1de: {  	[hbm:s9], [sflag:s8] =	dma.local [spmem:s7], $0x2780  }
0x1df: {  	_ =	swait.ge [sflag:s10], $0x2780  }
0x1e0: {  	s6 =	rddreg [dreg:$0x19]  }
0x1e1: {  	s9 =	sadd.s32 $0x1, s6;
	s6 =	rddreg [dreg:$0x17]  }
0x1e2: {  	p0 =	sne.s32 s9, s6  }
.Ltmp1:
0x1e3: {  	_ = 	snop;
	(pc) =	sbr.rel @p0 .LBB2_1-.Ltmp1, $3  }
0x1e4: {  	_ =	sdelay $0x1  }
0x1e5: {  	[sflag:s10] =	ssyncset.done $0x0  }
0x1e6: {  	[sflag:s10] =	ssyncadd.s32 $0xFFFFD880  }
0x1e7: {  	_ =	sfence.sel $0x180000  }
0x1e8: {  	[bflag:$0x0] =	sbarrier.arrive $0xFFFF  }
0x1e9: {  	_ =	strace $0x9000004A  }
0x1ea: {  	s0 =	stileid.u32;
	[bflag:$0x2] =	sbarrier.arrive $0xFFFF  }
0x1eb: {  	p0 =	sne.s32 s0, $0x0;
	s0 =	rddreg [dreg:$0x3]  }
0x1ec: {  	s0 =	sadd.s32 @!p0 $0x100000, s0  }
0x1ed: {  	[sflag:s0] =	ssyncadd.tile.s32 @!p0 $0x1;
	_ =	shalt  }
.Lfunc_end2:
_tile_overlayer_lowered:
.L_overlay_start_2:
0x1ee: {  	(tag) =	ssettag $0x2  }
0x1ef: {  	s0 =	rddreg [dreg:$0x0];
	s2 =	stileid.u32  }
0x1f0: {  	s1 =	rddreg [dreg:$0x1];
	p0 =	sne.s32 s2, $0x0  }
0x1f1: {  	s3 =	rddreg [dreg:$0x2];
	[bflag:$0x3] =	sbarrier.arrive $0xFFFF;
	s2 =	simm.s32 @!p0 $0x1C03  }
0x1f2: {  	[timem:s3], [sflag:s2] =	dma.local @!p0 [hbm:s0], s1  }
0x1f3: {  	s0 =	simm.s32 @!p0 $0x3  }
0x1f4: {  	_ =	swait.ge @!p0 [sflag:s0], s1  }
0x1f5: {  	s1 =	ssub.s32 @!p0 $0x0, s1;
	[sflag:s0] =	ssyncset.done @!p0 $0x0  }
0x1f6: {  	[sflag:s0] =	ssyncadd.s32 @!p0 s1  }
0x1f7: {  	[bflag:$0x3] =	sbarrier.arrive $0xFFFF  }
0x1f8: {  	_ =	shalt  }

// kernel: kernel.13.cloned.1.call-start
scs
__scs_entry_jumppad:
0x0: {  	(pc) =	sbr.rel $0x88, $3  }
0x1: {  	(tag) =	ssettag $0x0;
	lr =	simm.s32 $0x1  }
0x2: {  	[smem:$0x3F99] =	sst lr;
	_ =	strace $0xD0000000  }
0x3: {  	_ = 	snop  }
0x4: {  	_ = 	snop  }
0x5: {  	_ = 	snop  }
0x6: {  	_ = 	snop  }
0x7: {  	_ = 	snop  }
__scs_overlays_trampoline_lowered:
0x8: {  	[smem:$0x3FA8] =	sst s0  }
0x9: {  	[smem:$0x3FA9] =	sst s1  }
0xa: {  	[smem:$0x3FAA] =	sst s2  }
0xb: {  	[smem:$0x3FAB] =	sst s3  }
0xc: {  	[smem:$0x3FAC] =	sst s4  }
0xd: {  	[smem:$0x3FAD] =	sst s5  }
0xe: {  	[smem:$0x3FAE] =	sst s6  }
0xf: {  	[smem:$0x3FAF] =	sst s7  }
0x10: {  	[smem:$0x3FB0] =	sst s8  }
0x11: {  	[smem:$0x3FB1] =	sst s9;
	s0 =	simm.s32 @!p0 $0x0  }
0x12: {  	s1 =	sld [smem:$0x3F97];
	s0 =	simm.s32 @p0 $0x1  }
0x13: {  	[smem:$0x3FB2] =	sst s0;
	s0 =	simm.s32 @!p1 $0x0  }
0x14: {  	s2 =	sld [smem:$0x3F96];
	s0 =	simm.s32 @p1 $0x1  }
0x15: {  	[smem:$0x3FB3] =	sst s0;
	s0 =	simm.s32 @!p2 $0x0  }
0x16: {  	s3 =	sld [smem:$0x3FDB];
	s0 =	simm.s32 @p2 $0x1  }
0x17: {  	s4 =	simm.s32 $0x1BF5;
	[smem:$0x3FB5] =	sst s0  }
0x18: {  	s0 =	sld [smem:$0x3F98];
	_ =	swait.ge [sflag:s4], $0x0  }
0x19: {  	s7 =	sld [smem:$0x3F99]  }
0x1a: {  	s8 =	sadd.s32 $0xFFFFE003, lr  }
0x1b: {  	s9 =	sadd.s32 $0xFFFFFEF7, lr;
	s5 =	simm.s32 $0xFFFFFFFF;
	p2 =	slt.u32 s8, $0xFFFFF086  }
0x1c: {  	p1 =	slt.u32 s9, $0xF7A;
	s5 =	simm.s32 @!p2 $0x0  }
0x1d: {  	s5 =	simm.s32 @p1 $0x1;
	p0 =	seq.s32 s7, s2  }
0x1e: {  	s7 =	smul.u32 @!p0 $0xF7A, s2;
	p2 =	seq.s32 @!p0 s5, $0x0  }
0x1f: {  	s9 =	smul.u32 $0xF7A, s1;
	s8 =	simm.s32 @!p0 $0x1BF5;
	p2 =	por !p2, p0  }
0x20: {  	[sflag:s8] =	ssyncset.s32 @!p0 $0xFFFFF086;
	s6 =	sadd.s32 @!p0 s3, s7;
	s7 =	simm.s32 @!p0 $0x108  }
0x21: {  	s3 =	sadd.s32 s3, s9;
	s6 =	sadd.s32 @!p0 $0x88, s6;
	s7 =	simm.s32 @p2 $0x1082  }
0x22: {  	[simem:s7], [sflag:s8] =	dma.local @!p0 [hbm:s6], $0xF7A  }
0x23: {  	s9 =	sor.u32 $0xD0000000, s2;
	s6 =	simm.s32 $0x108;
	_ =	swait.ge @!p0 [sflag:s8], $0x0  }
0x24: {  	s3 =	sadd.s32 $0x88, s3;
	s6 =	simm.s32 @!p1 $0x1082;
	[sflag:s4] =	ssyncset.s32 $0xFFFFF086  }
0x25: {  	[simem:s6], [sflag:s4] =	dma.local [hbm:s3], $0xF7A  }
0x26: {  	[smem:$0x3F99] =	sst s1;
	(tag) =	ssettag s2;
	_ =	strace s9  }
0x27: {  	s1 =	sld [smem:$0x3FA9]  }
0x28: {  	s2 =	sld [smem:$0x3FAA]  }
0x29: {  	s4 =	sld [smem:$0x3FAC]  }
0x2a: {  	p0 =	seq.s32 s5, $0x0;
	s5 =	sld [smem:$0x3FAD]  }
0x2b: {  	s6 =	sld [smem:$0x3FAE]  }
0x2c: {  	s7 =	sld [smem:$0x3FAF]  }
0x2d: {  	s3 =	simm.s32 $0x108;
	s8 =	sld [smem:$0x3FB0]  }
0x2e: {  	s3 =	simm.s32 @!p0 $0x1082;
	s9 =	sld [smem:$0x3FB1]  }
0x2f: {  	lr =	sadd.s32 s0, s3;
	s0 =	sld [smem:$0x3FA8]  }
0x30: {  	s3 =	sld [smem:$0x3FAB]  }
0x31: {  	[smem:$0x3FB4] =	sst s10  }
0x32: {  	s10 =	sld [smem:$0x3FB2];
	_ =	sdelay $0x3  }
0x33: {  	p0 =	seq.s32 s10, $0x1;
	s10 =	sld [smem:$0x3FB4];
	_ =	sdelay $0x3  }
0x34: {  	[smem:$0x3FB4] =	sst s10  }
0x35: {  	s10 =	sld [smem:$0x3FB3];
	_ =	sdelay $0x3  }
0x36: {  	p1 =	seq.s32 s10, $0x1;
	s10 =	sld [smem:$0x3FB4];
	_ =	sdelay $0x3  }
0x37: {  	[smem:$0x3FB4] =	sst s10  }
0x38: {  	s10 =	sld [smem:$0x3FB5]  }
0x39: {  	_ = 	snop;
	(pc) =	sbr.ind lr, $3  }
0x3a: {  	_ = 	snop  }
0x3b: {  	_ = 	snop  }
0x3c: {  	p2 =	seq.s32 s10, $0x1;
	s10 =	sld [smem:$0x3FB4]  }
0x3d: {  	_ =	shalt  }
0x3e: {  	_ =	shalt  }
0x3f: {  	_ =	shalt  }
0x40: {  	_ =	shalt  }
0x41: {  	_ =	shalt  }
0x42: {  	_ =	shalt  }
0x43: {  	_ =	shalt  }
0x44: {  	_ =	shalt  }
0x45: {  	_ =	shalt  }
0x46: {  	_ =	shalt  }
0x47: {  	_ =	shalt  }
0x48: {  	_ =	shalt  }
0x49: {  	_ =	shalt  }
0x4a: {  	_ =	shalt  }
0x4b: {  	_ =	shalt  }
0x4c: {  	_ =	shalt  }
0x4d: {  	_ =	shalt  }
0x4e: {  	_ =	shalt  }
0x4f: {  	_ =	shalt  }
0x50: {  	_ =	shalt  }
0x51: {  	_ =	shalt  }
0x52: {  	_ =	shalt  }
0x53: {  	_ =	shalt  }
0x54: {  	_ =	shalt  }
0x55: {  	_ =	shalt  }
0x56: {  	_ =	shalt  }
0x57: {  	_ =	shalt  }
0x58: {  	_ =	shalt  }
0x59: {  	_ =	shalt  }
0x5a: {  	_ =	shalt  }
0x5b: {  	_ =	shalt  }
0x5c: {  	_ =	shalt  }
0x5d: {  	_ =	shalt  }
0x5e: {  	_ =	shalt  }
0x5f: {  	_ =	shalt  }
0x60: {  	_ =	shalt  }
0x61: {  	_ =	shalt  }
0x62: {  	_ =	shalt  }
0x63: {  	_ =	shalt  }
0x64: {  	_ =	shalt  }
0x65: {  	_ =	shalt  }
0x66: {  	_ =	shalt  }
0x67: {  	_ =	shalt  }
0x68: {  	_ =	shalt  }
0x69: {  	_ =	shalt  }
0x6a: {  	_ =	shalt  }
0x6b: {  	_ =	shalt  }
0x6c: {  	_ =	shalt  }
0x6d: {  	_ =	shalt  }
0x6e: {  	_ =	shalt  }
0x6f: {  	_ =	shalt  }
0x70: {  	_ =	shalt  }
0x71: {  	_ =	shalt  }
0x72: {  	_ =	shalt  }
0x73: {  	_ =	shalt  }
0x74: {  	_ =	shalt  }
0x75: {  	_ =	shalt  }
0x76: {  	_ =	shalt  }
0x77: {  	_ =	shalt  }
0x78: {  	_ =	shalt  }
0x79: {  	_ =	shalt  }
0x7a: {  	_ =	shalt  }
0x7b: {  	_ =	shalt  }
0x7c: {  	_ =	shalt  }
0x7d: {  	_ =	shalt  }
0x7e: {  	_ =	shalt  }
0x7f: {  	_ =	shalt  }
0x80: {  	_ =	shalt  }
0x81: {  	_ =	shalt  }
0x82: {  	_ =	shalt  }
0x83: {  	_ =	shalt  }
0x84: {  	_ =	shalt  }
0x85: {  	_ =	shalt  }
0x86: {  	_ =	shalt  }
0x87: {  	_ =	shalt  }
.Lfunc_end0:
.L_simem_size_0:
called_computation.2_lowered:
.L_overlay_start_0:
0x88: {  	s2 =	sld [smem:$0x3FD9]  }
0x89: {  	s3 =	sld [smem:$0x3FFE];
	_ =	sdelay $0x1  }
0x8a: {  	s1 =	srdreg.scid  }
0x8b: {  	s0 =	sand.u32 $0x1, s1  }
0x8c: {  	s16 =	sshll.u32 s0, $0xA;
	s2 =	sadd.s32 s3, s2  }
0x8d: {  	s2 =	sadd.s32 s2, s16  }
0x8e: {  	[smem:$0x3FC0] =	sst s2  }
0x8f: {  	_ = 	snop  }
0x90: {  	(tm) =	ssettm $0x1  }
0x91: {  	s17 =	sld [smem:$0x3FFB];
	_ =	sdelay $0x3  }
0x92: {  	_ =	strace s17  }
0x93: {  	s2 =	sld [smem:$0x3FFC];
	_ =	sdelay $0x3  }
0x94: {  	_ =	strace s2  }
0x95: {  	s2 =	sld [smem:$0x3FFD];
	_ =	sdelay $0x3  }
0x96: {  	_ =	strace s2  }
0x97: {  	_ =	strace $0x8FFFFFFF  }
0x98: {  	s18 =	sld [smem:$0x3FDB];
	_ =	sdelay $0x1  }
0x99: {  	s19 =	simm.s32 $_scs_section_size  }
0x9a: {  	s4 =	simm.s32 $_size__tile_overlayer_lowered;
	s5 =	simm.s32 $_tile_overlayer_lowered  }
0x9b: {  	s22 =	simm.s32 $0x1BFF;
	s21 =	sshll.u32 s5, $0x1;
	s2 =	sadd.s32 s19, s18  }
0x9c: {  	s6 =	simm.s32 $0x0;
	s20 =	sshll.u32 s4, $0x1;
	s4 =	sadd.s32 s21, s2  }
0x9d: {  	[timem:s6], [sflag:s22] =	dma.local [hbm:s4], s20  }
0x9e: {  	_ =	swait.ge [sflag:s22], s20  }
0x9f: {  	s3 =	ssub.s32 $0x0, s20;
	[sflag:s22] =	ssyncset.done $0x0  }
0xa0: {  	[sflag:s22] =	ssyncadd.s32 s3;
	_ =	sdelay $0x1  }
0xa1: {  	s23 =	simm.s32 $0x1B8B  }
0xa2: {  	_ =	swait.ge [sflag:s23], $0x1  }
0xa3: {  	[sflag:s23] =	ssyncset.done $0x0  }
0xa4: {  	s25 =	simm.s32 $0x1B8E;
	s24 =	sld [smem:$0x3FFE];
	[sflag:s23] =	ssyncadd.s32 $0xFFFFFFFF  }
0xa5: {  	s26 =	simm.s32 $execute0_lowered;
	[smem:$0x3FD2] =	sst s25  }
0xa6: {  	s4 =	sshll.u32 s26, $0x1;
	_ =	strace $0x8000004C;
	[dreg:$0x1] =	wrdreg $0xFFFFFFFF  }
0xa7: {  	s28 =	simm.s32 $_size_execute0_lowered;
	s2 =	sadd.s32 s2, s4;
	[dreg:$0x0] =	wrdreg $0x0  }
0xa8: {  	s4 =	sshll.u32 s28, $0x1;
	[dreg:$0x2] =	wrdreg s2  }
0xa9: {  	[dreg:$0x3] =	wrdreg s4  }
0xaa: {  	[dreg:$0x4] =	wrdreg $0xC0  }
0xab: {  	_ =	task [dreg:s6], $0x5FFFF  }
0xac: {  	[dreg:$0x1] =	wrdreg $0xFFFFFFFF  }
0xad: {  	[dreg:$0x0] =	wrdreg $0x60  }
0xae: {  	[dreg:$0x2] =	wrdreg s24  }
0xaf: {  	[dreg:$0x3] =	wrdreg $0x0  }
0xb0: {  	[dreg:$0x4] =	wrdreg $0x9  }
0xb1: {  	_ =	task.clear_ibuf [dreg:s6], $0x5FFFF;
	_ =	strace $0x9000004C  }
0xb2: {  	s29 =	simm.s32 $0x9;
	_ =	strace $0x8000004E  }
0xb3: {  	_ =	swait.ge [sflag:s29], $0x1  }
0xb4: {  	[sflag:s29] =	ssyncadd.s32 $0xFFFFFFFF  }
0xb5: {  	_ =	strace $0x9000004E  }
0xb6: {  	_ =	sfence  }
0xb7: {  	s30 =	sld [smem:$0x0];
	_ =	sdelay $0x2  }
0xb8: {  	s31 =	sshll.u32 s1, $0xD;
	s1 =	sshrl.u32 s1, $0x2  }
0xb9: {  	s3 =	sand.u32 $0x4000, s31;
	s1 =	sadd.s32 s1, s30  }
0xba: {  	s0 =	sor.u32 s3, s0;
	s1 =	sshll.u32 s1, $0x11  }
0xbb: {  	s0 =	sor.u32 s1, s0  }
0xbc: {  	s0 =	sadd.s32 $0x8F2B, s0  }
0xbd: {  	[sflag:s0] =	ssyncadd.remote.s32 $0x1  }
0xbe: {  	_ =	sfence.sel $0xFFFF  }
0xbf: {  	[dreg:$0x0] =	wrdreg $0xFFFFFFFF;
	(pc) =	sbr.abs _section_cstart, $3  }
0xc0: {  	[dreg:$0x1] =	wrdreg $0xFFFFFFFF  }
0xc1: {  	_ =	task.clear_ibuf [dreg:s6], $0x2FFFF;
	_ =	strace $0x9FFFFFFF  }
0xc2: {  	(tm) =	ssettm $0x7FFFFFFF  }
0xc3: {  	_ =	shalt  }
tec
execute0_lowered:
.L_overlay_start_1:
0x0: {  	(tag) =	ssettag $0x1  }
0x1: {  	s0 =	srdreg.scid  }
0x2: {  	s1 =	rddreg [dreg:$0x0];
	s9 =	stileid.u32  }
0x3: {  	s2 =	rddreg [dreg:$0x1];
	s3 =	simm.s32 $0x0;
	s12 =	simm.s32 $0x13C80  }
0x4: {  	s14 =	simm.s32 $0x14480;
	s15 =	simm.s32 $0x13D00;
	s16 =	simm.s32 $0x13D80  }
0x5: {  	s17 =	simm.s32 $0x14500;
	s18 =	simm.s32 $0x14580;
	[smem:$0x7FF] =	sst s3  }
0x6: {  	s19 =	simm.s32 $0x13E00;
	_ =	strace $0x8000004D;
	[dreg:$0x5] =	wrdreg s12  }
0x7: {  	s20 =	simm.s32 $0x13E80;
	s21 =	simm.s32 $0x14600;
	[dreg:$0x6] =	wrdreg s14  }
0x8: {  	s22 =	simm.s32 $0x14680;
	s23 =	simm.s32 $0x13F00;
	[dreg:$0x7] =	wrdreg s15  }
0x9: {  	s24 =	simm.s32 $0x13F80;
	s28 =	simm.s32 $0x14280;
	[dreg:$0x8] =	wrdreg s16  }
0xa: {  	s29 =	simm.s32 $0x14A00;
	s30 =	simm.s32 $0x14A80;
	[dreg:$0x9] =	wrdreg s17  }
0xb: {  	s31 =	simm.s32 $0x14300;
	s5 =	smul.u32 $0x5000, s9;
	[dreg:$0xa] =	wrdreg s18  }
0xc: {  	s0 =	sand.u32 $0x1, s0;
	s25 =	smul.u32 $0x2780, s9;
	[dreg:$0xb] =	wrdreg s19  }
0xd: {  	s8 =	smul.u32 $0x4F000, s9;
	s13 =	sshll.u32 s9, $0x6;
	[dreg:$0xc] =	wrdreg s20  }
0xe: {  	s9 =	simm.s32 $0x0;
	s4 =	smul.u32 $0x50000, s0;
	[dreg:$0xd] =	wrdreg s21  }
0xf: {  	s7 =	smul.u32 $0x27800, s0;
	s0 =	ssub.s32 $0x2, s0;
	[dreg:$0xe] =	wrdreg s22  }
0x10: {  	s12 =	simm.s32 $0x14400;
	s14 =	simm.s32 $0x14C00;
	[dreg:$0xf] =	wrdreg s23  }
0x11: {  	s15 =	simm.s32 $0x16C00;
	s16 =	simm.s32 $0x1;
	[dreg:$0x10] =	wrdreg s24  }
0x12: {  	s17 =	simm.s32 $0x2;
	s18 =	simm.s32 $0x14000;
	s19 =	simm.s32 $0x14080  }
0x13: {  	s20 =	simm.s32 $0x14800;
	s21 =	simm.s32 $0x14880;
	s22 =	simm.s32 $0x14100  }
0x14: {  	s23 =	simm.s32 $0x14180;
	s24 =	simm.s32 $0x14900;
	s26 =	sshrl.u32 s0, $0x1  }
0x15: {  	s10 =	sshrl.u32 s8, $0x2;
	s8 =	sor.u32 $0x1C03, s13;
	s13 =	simm.s32 $0x40  }
0x16: {  	s4 =	sadd.s32 s5, s4;
	s7 =	sadd.s32 s25, s7;
	s5 =	sadd.s32 s25, s1  }
0x17: {  	s0 =	ssub.s32 s0, s26;
	s25 =	simm.s32 $0x14700;
	s26 =	simm.s32 $0x14780  }
0x18: {  	[dreg:$0x14] =	wrdreg s8;
	s6 =	sshrl.u32 s4, $0x3;
	s4 =	sadd.s32 $0x3D600, s1  }
0x19: {  	s5 =	sadd.s32 $0x15E00, s5;
	s0 =	smax.u32 s0, $0x1;
	[dreg:$0x11] =	wrdreg s25  }
0x1a: {  	[dreg:$0x12] =	wrdreg s26;
	s25 =	simm.s32 $0x14980;
	s26 =	simm.s32 $0x14200  }
0x1b: {  	s6 =	sadd.s32 s6, s1;
	s1 =	sadd.s32 s7, s1;
	[dreg:$0x13] =	wrdreg s5  }
0x1c: {  	s7 =	sadd.s32 s10, s2;
	[dreg:$0x16] =	wrdreg s0;
	s11 =	sadd.s32 $0x1E00, s6  }
0x1d: {  	s10 =	simm.s32 $0x3;
	s6 =	sadd.s32 $0x8C600, s6;
	[dreg:$0x3] =	wrdreg s11  }
0x1e: {  	s0 =	simm.s32 $0x14B00;
	s1 =	sadd.s32 $0xA0600, s1;
	[dreg:$0x4] =	wrdreg s6  }
0x1f: {  	s5 =	simm.s32 $0x14B80;
	s7 =	sshrl.u32 s7, $0x3;
	[dreg:$0x15] =	wrdreg s1  }
0x20: {  	s11 =	simm.s32 $0x13C00;
	s1 =	simm.s32 $0x14380;
	[dreg:$0x17] =	wrdreg s7  }
.LBB2_1:
0x21: {  	[dreg:$0x18] =	wrdreg s9  }
0x22: {  	s6 =	rddreg [dreg:$0x13]  }
0x23: {  	[spmem:s7], [sflag:s8] =	dma.local [hbm:s6], $0x2780  }
0x24: {  	_ =	swait.ge [sflag:s10], $0x2780  }
0x25: {  	[sflag:s10] =	ssyncset.done $0x0  }
0x26: {  	[sflag:s10] =	ssyncadd.s32 $0xFFFFD880  }
0x27: {  	[bflag:$0x0] =	sbarrier.arrive $0xFFFF  }
0x28: {  	s8 =	rddreg [dreg:$0x4]  }
0x29: {  	s6 =	sadd.s32 $0x0, s8  }
0x2a: {  	[tilespmem:s11], [sflag:$0x3] =	stream.linear.gather [hbm4b:s6+s3], $0x800, $0x38;
	[tilespmem:$0x18C00] =	vst v63  }
0x2b: {  	_ =	swait.ge [sflag:s10], $0x800  }
0x2c: {  	s9 =	rddreg [dreg:$0x3];
	[sflag:s10] =	ssyncset.done $0x0  }
0x2d: {  	[sflag:s10] =	ssyncadd.s32 $0xFFFFF800;
	s6 =	sadd.s32 $0x0, s9  }
0x2e: {  	[tilespmem:s12], [sflag:$0x3] =	stream.linear.gather [hbm4b:s6+s3], $0x800, $0x38;
	[tilespmem:$0x18C00] =	vst v63  }
0x2f: {  	_ =	swait.ge [sflag:s10], $0x800  }
0x30: {  	[sflag:s10] =	ssyncset.done $0x0  }
0x31: {  	[sflag:s10] =	ssyncadd.s32 $0xFFFFF800  }
0x32: {  	[tilespmem:s14], [sflag:$0x1] =	stream.indirect.gather [hbm4b:s4+s13], $0x80, s11, s13, $0xb8;
	[tilespmem:$0x18C00] =	vst v63  }
0x33: {  	s7 =	rddreg [dreg:$0x5]  }
0x34: {  	[tilespmem:s15], [sflag:$0x2] =	stream.indirect.gather [hbm4b:s4+s13], $0x80, s7, s13, $0xb8;
	[tilespmem:$0x18C00] =	vst v63  }
0x35: {  	_ =	swait.ge [sflag:s16], $0x2000  }
0x36: {  	[sflag:s16] =	ssyncset.done $0x0  }
0x37: {  	[sflag:s16] =	ssyncadd.s32 $0xFFFFE000  }
0x38: {  	[spmem:s2] =	stream.indirect.scatter.add.f32 [tilespmem:s14], [sflag:$0x3], $0x80, s12, s13, $0xb8;
	[tilespmem:$0x18C00] =	vst v63  }
0x39: {  	_ =	swait.ge [sflag:s10], $0x2000  }
0x3a: {  	[sflag:s10] =	ssyncset.done $0x0  }
0x3b: {  	[sflag:s10] =	ssyncadd.s32 $0xFFFFE000  }
0x3c: {  	_ =	swait.ge [sflag:s17], $0x2000  }
0x3d: {  	[sflag:s17] =	ssyncset.done $0x0  }
0x3e: {  	s8 =	rddreg [dreg:$0x6];
	[sflag:s17] =	ssyncadd.s32 $0xFFFFE000  }
0x3f: {  	[spmem:s2] =	stream.indirect.scatter.add.f32 [tilespmem:s15], [sflag:$0x3], $0x80, s8, s13, $0xb8;
	[tilespmem:$0x18C00] =	vst v63  }
0x40: {  	_ =	swait.ge [sflag:s10], $0x2000  }
0x41: {  	[sflag:s10] =	ssyncset.done $0x0  }
0x42: {  	s9 =	rddreg [dreg:$0x7];
	[sflag:s10] =	ssyncadd.s32 $0xFFFFE000  }
0x43: {  	[tilespmem:s14], [sflag:$0x1] =	stream.indirect.gather [hbm4b:s4+s13], $0x80, s9, s13, $0xb8;
	[tilespmem:$0x18C00] =	vst v63  }
0x44: {  	s7 =	rddreg [dreg:$0x8]  }
0x45: {  	[tilespmem:s15], [sflag:$0x2] =	stream.indirect.gather [hbm4b:s4+s13], $0x80, s7, s13, $0xb8;
	[tilespmem:$0x18C00] =	vst v63  }
0x46: {  	_ =	swait.ge [sflag:s16], $0x2000  }
0x47: {  	[sflag:s16] =	ssyncset.done $0x0  }
0x48: {  	s9 =	rddreg [dreg:$0x9];
	[sflag:s16] =	ssyncadd.s32 $0xFFFFE000  }
0x49: {  	[spmem:s2] =	stream.indirect.scatter.add.f32 [tilespmem:s14], [sflag:$0x3], $0x80, s9, s13, $0xb8;
	[tilespmem:$0x18C00] =	vst v63  }
0x4a: {  	_ =	swait.ge [sflag:s10], $0x2000  }
0x4b: {  	[sflag:s10] =	ssyncset.done $0x0  }
0x4c: {  	[sflag:s10] =	ssyncadd.s32 $0xFFFFE000  }
0x4d: {  	_ =	swait.ge [sflag:s17], $0x2000  }
0x4e: {  	[sflag:s17] =	ssyncset.done $0x0  }
0x4f: {  	s7 =	rddreg [dreg:$0xa];
	[sflag:s17] =	ssyncadd.s32 $0xFFFFE000  }
0x50: {  	[spmem:s2] =	stream.indirect.scatter.add.f32 [tilespmem:s15], [sflag:$0x3], $0x80, s7, s13, $0xb8;
	[tilespmem:$0x18C00] =	vst v63  }
0x51: {  	_ =	swait.ge [sflag:s10], $0x2000  }
0x52: {  	[sflag:s10] =	ssyncset.done $0x0  }
0x53: {  	s8 =	rddreg [dreg:$0xb];
	[sflag:s10] =	ssyncadd.s32 $0xFFFFE000  }
0x54: {  	[tilespmem:s14], [sflag:$0x1] =	stream.indirect.gather [hbm4b:s4+s13], $0x80, s8, s13, $0xb8;
	[tilespmem:$0x18C00] =	vst v63  }
0x55: {  	s9 =	rddreg [dreg:$0xc]  }
0x56: {  	[tilespmem:s15], [sflag:$0x2] =	stream.indirect.gather [hbm4b:s4+s13], $0x80, s9, s13, $0xb8;
	[tilespmem:$0x18C00] =	vst v63  }
0x57: {  	_ =	swait.ge [sflag:s16], $0x2000  }
0x58: {  	[sflag:s16] =	ssyncset.done $0x0  }
0x59: {  	s7 =	rddreg [dreg:$0xd];
	[sflag:s16] =	ssyncadd.s32 $0xFFFFE000  }
0x5a: {  	[spmem:s2] =	stream.indirect.scatter.add.f32 [tilespmem:s14], [sflag:$0x3], $0x80, s7, s13, $0xb8;
	[tilespmem:$0x18C00] =	vst v63  }
0x5b: {  	_ =	swait.ge [sflag:s10], $0x2000  }
0x5c: {  	[sflag:s10] =	ssyncset.done $0x0  }
0x5d: {  	[sflag:s10] =	ssyncadd.s32 $0xFFFFE000  }
0x5e: {  	_ =	swait.ge [sflag:s17], $0x2000  }
0x5f: {  	[sflag:s17] =	ssyncset.done $0x0  }
0x60: {  	s8 =	rddreg [dreg:$0xe];
	[sflag:s17] =	ssyncadd.s32 $0xFFFFE000  }
0x61: {  	[spmem:s2] =	stream.indirect.scatter.add.f32 [tilespmem:s15], [sflag:$0x3], $0x80, s8, s13, $0xb8;
	[tilespmem:$0x18C00] =	vst v63  }
0x62: {  	_ =	swait.ge [sflag:s10], $0x2000  }
0x63: {  	[sflag:s10] =	ssyncset.done $0x0  }
0x64: {  	s9 =	rddreg [dreg:$0xf];
	[sflag:s10] =	ssyncadd.s32 $0xFFFFE000  }
0x65: {  	[tilespmem:s14], [sflag:$0x1] =	stream.indirect.gather [hbm4b:s4+s13], $0x80, s9, s13, $0xb8;
	[tilespmem:$0x18C00] =	vst v63  }
0x66: {  	s7 =	rddreg [dreg:$0x10]  }
0x67: {  	[tilespmem:s15], [sflag:$0x2] =	stream.indirect.gather [hbm4b:s4+s13], $0x80, s7, s13, $0xb8;
	[tilespmem:$0x18C00] =	vst v63  }
0x68: {  	_ =	swait.ge [sflag:s16], $0x2000  }
0x69: {  	[sflag:s16] =	ssyncset.done $0x0  }
0x6a: {  	s8 =	rddreg [dreg:$0x11];
	[sflag:s16] =	ssyncadd.s32 $0xFFFFE000  }
0x6b: {  	[spmem:s2] =	stream.indirect.scatter.add.f32 [tilespmem:s14], [sflag:$0x3], $0x80, s8, s13, $0xb8;
	[tilespmem:$0x18C00] =	vst v63  }
0x6c: {  	_ =	swait.ge [sflag:s10], $0x2000  }
0x6d: {  	[sflag:s10] =	ssyncset.done $0x0  }
0x6e: {  	[sflag:s10] =	ssyncadd.s32 $0xFFFFE000  }
0x6f: {  	_ =	swait.ge [sflag:s17], $0x2000  }
0x70: {  	[sflag:s17] =	ssyncset.done $0x0  }
0x71: {  	s9 =	rddreg [dreg:$0x12];
	[sflag:s17] =	ssyncadd.s32 $0xFFFFE000  }
0x72: {  	[spmem:s2] =	stream.indirect.scatter.add.f32 [tilespmem:s15], [sflag:$0x3], $0x80, s9, s13, $0xb8;
	[tilespmem:$0x18C00] =	vst v63  }
0x73: {  	_ =	swait.ge [sflag:s10], $0x2000  }
0x74: {  	[sflag:s10] =	ssyncset.done $0x0  }
0x75: {  	[sflag:s10] =	ssyncadd.s32 $0xFFFFE000  }
0x76: {  	[tilespmem:s14], [sflag:$0x1] =	stream.indirect.gather [hbm4b:s4+s13], $0x80, s18, s13, $0xb8;
	[tilespmem:$0x18C00] =	vst v63  }
0x77: {  	_ = 	snop  }
0x78: {  	[tilespmem:s15], [sflag:$0x2] =	stream.indirect.gather [hbm4b:s4+s13], $0x80, s19, s13, $0xb8;
	[tilespmem:$0x18C00] =	vst v63  }
0x79: {  	_ =	swait.ge [sflag:s16], $0x2000  }
0x7a: {  	[sflag:s16] =	ssyncset.done $0x0  }
0x7b: {  	[sflag:s16] =	ssyncadd.s32 $0xFFFFE000  }
0x7c: {  	[spmem:s2] =	stream.indirect.scatter.add.f32 [tilespmem:s14], [sflag:$0x3], $0x80, s20, s13, $0xb8;
	[tilespmem:$0x18C00] =	vst v63  }
0x7d: {  	_ =	swait.ge [sflag:s10], $0x2000  }
0x7e: {  	[sflag:s10] =	ssyncset.done $0x0  }
0x7f: {  	[sflag:s10] =	ssyncadd.s32 $0xFFFFE000  }
0x80: {  	_ =	swait.ge [sflag:s17], $0x2000  }
0x81: {  	[sflag:s17] =	ssyncset.done $0x0  }
0x82: {  	[sflag:s17] =	ssyncadd.s32 $0xFFFFE000  }
0x83: {  	[spmem:s2] =	stream.indirect.scatter.add.f32 [tilespmem:s15], [sflag:$0x3], $0x80, s21, s13, $0xb8;
	[tilespmem:$0x18C00] =	vst v63  }
0x84: {  	_ =	swait.ge [sflag:s10], $0x2000  }
0x85: {  	[sflag:s10] =	ssyncset.done $0x0  }
0x86: {  	[sflag:s10] =	ssyncadd.s32 $0xFFFFE000  }
0x87: {  	[tilespmem:s14], [sflag:$0x1] =	stream.indirect.gather [hbm4b:s4+s13], $0x80, s22, s13, $0xb8;
	[tilespmem:$0x18C00] =	vst v63  }
0x88: {  	_ = 	snop  }
0x89: {  	[tilespmem:s15], [sflag:$0x2] =	stream.indirect.gather [hbm4b:s4+s13], $0x80, s23, s13, $0xb8;
	[tilespmem:$0x18C00] =	vst v63  }
0x8a: {  	_ =	swait.ge [sflag:s16], $0x2000  }
0x8b: {  	[sflag:s16] =	ssyncset.done $0x0  }
0x8c: {  	[sflag:s16] =	ssyncadd.s32 $0xFFFFE000  }
0x8d: {  	[spmem:s2] =	stream.indirect.scatter.add.f32 [tilespmem:s14], [sflag:$0x3], $0x80, s24, s13, $0xb8;
	[tilespmem:$0x18C00] =	vst v63  }
0x8e: {  	_ =	swait.ge [sflag:s10], $0x2000  }
0x8f: {  	[sflag:s10] =	ssyncset.done $0x0  }
0x90: {  	[sflag:s10] =	ssyncadd.s32 $0xFFFFE000  }
0x91: {  	_ =	swait.ge [sflag:s17], $0x2000  }
0x92: {  	[sflag:s17] =	ssyncset.done $0x0  }
0x93: {  	[sflag:s17] =	ssyncadd.s32 $0xFFFFE000  }
0x94: {  	[spmem:s2] =	stream.indirect.scatter.add.f32 [tilespmem:s15], [sflag:$0x3], $0x80, s25, s13, $0xb8;
	[tilespmem:$0x18C00] =	vst v63  }
0x95: {  	_ =	swait.ge [sflag:s10], $0x2000  }
0x96: {  	[sflag:s10] =	ssyncset.done $0x0  }
0x97: {  	[sflag:s10] =	ssyncadd.s32 $0xFFFFE000  }
0x98: {  	[tilespmem:s14], [sflag:$0x1] =	stream.indirect.gather [hbm4b:s4+s13], $0x80, s26, s13, $0xb8;
	[tilespmem:$0x18C00] =	vst v63  }
0x99: {  	_ = 	snop  }
0x9a: {  	[tilespmem:s15], [sflag:$0x2] =	stream.indirect.gather [hbm4b:s4+s13], $0x80, s28, s13, $0xb8;
	[tilespmem:$0x18C00] =	vst v63  }
0x9b: {  	_ =	swait.ge [sflag:s16], $0x2000  }
0x9c: {  	[sflag:s16] =	ssyncset.done $0x0  }
0x9d: {  	[sflag:s16] =	ssyncadd.s32 $0xFFFFE000  }
0x9e: {  	[spmem:s2] =	stream.indirect.scatter.add.f32 [tilespmem:s14], [sflag:$0x3], $0x80, s29, s13, $0xb8;
	[tilespmem:$0x18C00] =	vst v63  }
0x9f: {  	_ =	swait.ge [sflag:s10], $0x2000  }
0xa0: {  	[sflag:s10] =	ssyncset.done $0x0  }
0xa1: {  	[sflag:s10] =	ssyncadd.s32 $0xFFFFE000  }
0xa2: {  	_ =	swait.ge [sflag:s17], $0x2000  }
0xa3: {  	[sflag:s17] =	ssyncset.done $0x0  }
0xa4: {  	[sflag:s17] =	ssyncadd.s32 $0xFFFFE000  }
0xa5: {  	[spmem:s2] =	stream.indirect.scatter.add.f32 [tilespmem:s15], [sflag:$0x3], $0x80, s30, s13, $0xb8;
	[tilespmem:$0x18C00] =	vst v63  }
0xa6: {  	_ =	swait.ge [sflag:s10], $0x2000  }
0xa7: {  	[sflag:s10] =	ssyncset.done $0x0  }
0xa8: {  	[sflag:s10] =	ssyncadd.s32 $0xFFFFE000  }
0xa9: {  	[tilespmem:s14], [sflag:$0x1] =	stream.indirect.gather [hbm4b:s4+s13], $0x80, s31, s13, $0xb8;
	[tilespmem:$0x18C00] =	vst v63  }
0xaa: {  	_ = 	snop  }
0xab: {  	[tilespmem:s15], [sflag:$0x2] =	stream.indirect.gather [hbm4b:s4+s13], $0x80, s1, s13, $0xb8;
	[tilespmem:$0x18C00] =	vst v63  }
0xac: {  	_ =	swait.ge [sflag:s16], $0x2000  }
0xad: {  	[sflag:s16] =	ssyncset.done $0x0  }
0xae: {  	[sflag:s16] =	ssyncadd.s32 $0xFFFFE000  }
0xaf: {  	[spmem:s2] =	stream.indirect.scatter.add.f32 [tilespmem:s14], [sflag:$0x3], $0x80, s0, s13, $0xb8;
	[tilespmem:$0x18C00] =	vst v63  }
0xb0: {  	_ =	swait.ge [sflag:s10], $0x2000  }
0xb1: {  	[sflag:s10] =	ssyncset.done $0x0  }
0xb2: {  	[sflag:s10] =	ssyncadd.s32 $0xFFFFE000  }
0xb3: {  	_ =	swait.ge [sflag:s17], $0x2000  }
0xb4: {  	[sflag:s17] =	ssyncset.done $0x0  }
0xb5: {  	[sflag:s17] =	ssyncadd.s32 $0xFFFFE000  }
0xb6: {  	[spmem:s2] =	stream.indirect.scatter.add.f32 [tilespmem:s15], [sflag:$0x3], $0x80, s5, s13, $0xb8;
	[tilespmem:$0x18C00] =	vst v63  }
0xb7: {  	s6 =	simm.s32 $0x200;
	_ =	swait.ge [sflag:s10], $0x2000  }
0xb8: {  	s8 =	simm.s32 $0x100;
	s9 =	rddreg [dreg:$0x4];
	[sflag:s10] =	ssyncset.done $0x0  }
.LBB2_2:
0xb9: {  	[sflag:s10] =	ssyncadd.s32 $0xFFFFE000;
	s9 =	sadd.s32 s8, s9  }
0xba: {  	[tilespmem:s11], [sflag:$0x3] =	stream.linear.gather [hbm4b:s9+s3], $0x800, $0x38;
	[tilespmem:$0x18C00] =	vst v63  }
0xbb: {  	_ =	swait.ge [sflag:s10], $0x800  }
0xbc: {  	s9 =	rddreg [dreg:$0x3];
	[sflag:s10] =	ssyncset.done $0x0  }
0xbd: {  	[sflag:s10] =	ssyncadd.s32 $0xFFFFF800;
	s9 =	sadd.s32 s8, s9  }
0xbe: {  	[tilespmem:s12], [sflag:$0x3] =	stream.linear.gather [hbm4b:s9+s3], $0x800, $0x38;
	[tilespmem:$0x18C00] =	vst v63  }
0xbf: {  	_ =	swait.ge [sflag:s10], $0x800  }
0xc0: {  	[sflag:s10] =	ssyncset.done $0x0  }
0xc1: {  	[sflag:s10] =	ssyncadd.s32 $0xFFFFF800  }
0xc2: {  	[tilespmem:s14], [sflag:$0x1] =	stream.indirect.gather [hbm4b:s4+s13], $0x80, s11, s13, $0xb8;
	[tilespmem:$0x18C00] =	vst v63  }
0xc3: {  	s9 =	rddreg [dreg:$0x5]  }
0xc4: {  	[tilespmem:s15], [sflag:$0x2] =	stream.indirect.gather [hbm4b:s4+s13], $0x80, s9, s13, $0xb8;
	[tilespmem:$0x18C00] =	vst v63  }
0xc5: {  	_ =	swait.ge [sflag:s16], $0x2000  }
0xc6: {  	[sflag:s16] =	ssyncset.done $0x0  }
0xc7: {  	[sflag:s16] =	ssyncadd.s32 $0xFFFFE000  }
0xc8: {  	[spmem:s2] =	stream.indirect.scatter.add.f32 [tilespmem:s14], [sflag:$0x3], $0x80, s12, s13, $0xb8;
	[tilespmem:$0x18C00] =	vst v63  }
0xc9: {  	_ =	swait.ge [sflag:s10], $0x2000  }
0xca: {  	[sflag:s10] =	ssyncset.done $0x0  }
0xcb: {  	[sflag:s10] =	ssyncadd.s32 $0xFFFFE000  }
0xcc: {  	_ =	swait.ge [sflag:s17], $0x2000  }
0xcd: {  	[sflag:s17] =	ssyncset.done $0x0  }
0xce: {  	s9 =	rddreg [dreg:$0x6];
	[sflag:s17] =	ssyncadd.s32 $0xFFFFE000  }
0xcf: {  	[spmem:s2] =	stream.indirect.scatter.add.f32 [tilespmem:s15], [sflag:$0x3], $0x80, s9, s13, $0xb8;
	[tilespmem:$0x18C00] =	vst v63  }
0xd0: {  	_ =	swait.ge [sflag:s10], $0x2000  }
0xd1: {  	s7 =	smov.u32 s6;
	[sflag:s10] =	ssyncset.done $0x0  }
0xd2: {  	s8 =	smov.u32 s7;
	s7 =	rddreg [dreg:$0x7];
	[sflag:s10] =	ssyncadd.s32 $0xFFFFE000  }
0xd3: {  	[tilespmem:s14], [sflag:$0x1] =	stream.indirect.gather [hbm4b:s4+s13], $0x80, s7, s13, $0xb8;
	[tilespmem:$0x18C00] =	vst v63  }
0xd4: {  	s9 =	rddreg [dreg:$0x8]  }
0xd5: {  	[tilespmem:s15], [sflag:$0x2] =	stream.indirect.gather [hbm4b:s4+s13], $0x80, s9, s13, $0xb8;
	[tilespmem:$0x18C00] =	vst v63  }
0xd6: {  	_ =	swait.ge [sflag:s16], $0x2000  }
0xd7: {  	[sflag:s16] =	ssyncset.done $0x0  }
0xd8: {  	s9 =	rddreg [dreg:$0x9];
	[sflag:s16] =	ssyncadd.s32 $0xFFFFE000  }
0xd9: {  	[spmem:s2] =	stream.indirect.scatter.add.f32 [tilespmem:s14], [sflag:$0x3], $0x80, s9, s13, $0xb8;
	[tilespmem:$0x18C00] =	vst v63  }
0xda: {  	_ =	swait.ge [sflag:s10], $0x2000  }
0xdb: {  	[sflag:s10] =	ssyncset.done $0x0  }
0xdc: {  	[sflag:s10] =	ssyncadd.s32 $0xFFFFE000  }
0xdd: {  	_ =	swait.ge [sflag:s17], $0x2000  }
0xde: {  	[sflag:s17] =	ssyncset.done $0x0  }
0xdf: {  	s9 =	rddreg [dreg:$0xa];
	[sflag:s17] =	ssyncadd.s32 $0xFFFFE000  }
0xe0: {  	[spmem:s2] =	stream.indirect.scatter.add.f32 [tilespmem:s15], [sflag:$0x3], $0x80, s9, s13, $0xb8;
	[tilespmem:$0x18C00] =	vst v63  }
0xe1: {  	_ =	swait.ge [sflag:s10], $0x2000  }
0xe2: {  	[sflag:s10] =	ssyncset.done $0x0  }
0xe3: {  	s7 =	rddreg [dreg:$0xb];
	[sflag:s10] =	ssyncadd.s32 $0xFFFFE000  }
0xe4: {  	[tilespmem:s14], [sflag:$0x1] =	stream.indirect.gather [hbm4b:s4+s13], $0x80, s7, s13, $0xb8;
	[tilespmem:$0x18C00] =	vst v63  }
0xe5: {  	s9 =	rddreg [dreg:$0xc]  }
0xe6: {  	[tilespmem:s15], [sflag:$0x2] =	stream.indirect.gather [hbm4b:s4+s13], $0x80, s9, s13, $0xb8;
	[tilespmem:$0x18C00] =	vst v63  }
0xe7: {  	_ =	swait.ge [sflag:s16], $0x2000  }
0xe8: {  	[sflag:s16] =	ssyncset.done $0x0  }
0xe9: {  	s9 =	rddreg [dreg:$0xd];
	[sflag:s16] =	ssyncadd.s32 $0xFFFFE000  }
0xea: {  	[spmem:s2] =	stream.indirect.scatter.add.f32 [tilespmem:s14], [sflag:$0x3], $0x80, s9, s13, $0xb8;
	[tilespmem:$0x18C00] =	vst v63  }
0xeb: {  	_ =	swait.ge [sflag:s10], $0x2000  }
0xec: {  	[sflag:s10] =	ssyncset.done $0x0  }
0xed: {  	[sflag:s10] =	ssyncadd.s32 $0xFFFFE000  }
0xee: {  	_ =	swait.ge [sflag:s17], $0x2000  }
0xef: {  	[sflag:s17] =	ssyncset.done $0x0  }
0xf0: {  	s9 =	rddreg [dreg:$0xe];
	[sflag:s17] =	ssyncadd.s32 $0xFFFFE000  }
0xf1: {  	[spmem:s2] =	stream.indirect.scatter.add.f32 [tilespmem:s15], [sflag:$0x3], $0x80, s9, s13, $0xb8;
	[tilespmem:$0x18C00] =	vst v63  }
0xf2: {  	_ =	swait.ge [sflag:s10], $0x2000  }
0xf3: {  	[sflag:s10] =	ssyncset.done $0x0  }
0xf4: {  	s7 =	rddreg [dreg:$0xf];
	[sflag:s10] =	ssyncadd.s32 $0xFFFFE000  }
0xf5: {  	[tilespmem:s14], [sflag:$0x1] =	stream.indirect.gather [hbm4b:s4+s13], $0x80, s7, s13, $0xb8;
	[tilespmem:$0x18C00] =	vst v63  }
0xf6: {  	s9 =	rddreg [dreg:$0x10]  }
0xf7: {  	[tilespmem:s15], [sflag:$0x2] =	stream.indirect.gather [hbm4b:s4+s13], $0x80, s9, s13, $0xb8;
	[tilespmem:$0x18C00] =	vst v63  }
0xf8: {  	_ =	swait.ge [sflag:s16], $0x2000  }
0xf9: {  	[sflag:s16] =	ssyncset.done $0x0  }
0xfa: {  	s9 =	rddreg [dreg:$0x11];
	[sflag:s16] =	ssyncadd.s32 $0xFFFFE000  }
0xfb: {  	[spmem:s2] =	stream.indirect.scatter.add.f32 [tilespmem:s14], [sflag:$0x3], $0x80, s9, s13, $0xb8;
	[tilespmem:$0x18C00] =	vst v63  }
0xfc: {  	_ =	swait.ge [sflag:s10], $0x2000  }
0xfd: {  	[sflag:s10] =	ssyncset.done $0x0  }
0xfe: {  	[sflag:s10] =	ssyncadd.s32 $0xFFFFE000  }
0xff: {  	_ =	swait.ge [sflag:s17], $0x2000  }
0x100: {  	[sflag:s17] =	ssyncset.done $0x0  }
0x101: {  	s9 =	rddreg [dreg:$0x12];
	[sflag:s17] =	ssyncadd.s32 $0xFFFFE000  }
0x102: {  	[spmem:s2] =	stream.indirect.scatter.add.f32 [tilespmem:s15], [sflag:$0x3], $0x80, s9, s13, $0xb8;
	[tilespmem:$0x18C00] =	vst v63  }
0x103: {  	_ =	swait.ge [sflag:s10], $0x2000  }
0x104: {  	[sflag:s10] =	ssyncset.done $0x0  }
0x105: {  	[sflag:s10] =	ssyncadd.s32 $0xFFFFE000  }
0x106: {  	[tilespmem:s14], [sflag:$0x1] =	stream.indirect.gather [hbm4b:s4+s13], $0x80, s18, s13, $0xb8;
	[tilespmem:$0x18C00] =	vst v63  }
0x107: {  	_ = 	snop  }
0x108: {  	[tilespmem:s15], [sflag:$0x2] =	stream.indirect.gather [hbm4b:s4+s13], $0x80, s19, s13, $0xb8;
	[tilespmem:$0x18C00] =	vst v63  }
0x109: {  	_ =	swait.ge [sflag:s16], $0x2000  }
0x10a: {  	[sflag:s16] =	ssyncset.done $0x0  }
0x10b: {  	[sflag:s16] =	ssyncadd.s32 $0xFFFFE000  }
0x10c: {  	[spmem:s2] =	stream.indirect.scatter.add.f32 [tilespmem:s14], [sflag:$0x3], $0x80, s20, s13, $0xb8;
	[tilespmem:$0x18C00] =	vst v63  }
0x10d: {  	_ =	swait.ge [sflag:s10], $0x2000  }
0x10e: {  	[sflag:s10] =	ssyncset.done $0x0  }
0x10f: {  	[sflag:s10] =	ssyncadd.s32 $0xFFFFE000  }
0x110: {  	_ =	swait.ge [sflag:s17], $0x2000  }
0x111: {  	[sflag:s17] =	ssyncset.done $0x0  }
0x112: {  	[sflag:s17] =	ssyncadd.s32 $0xFFFFE000  }
0x113: {  	[spmem:s2] =	stream.indirect.scatter.add.f32 [tilespmem:s15], [sflag:$0x3], $0x80, s21, s13, $0xb8;
	[tilespmem:$0x18C00] =	vst v63  }
0x114: {  	_ =	swait.ge [sflag:s10], $0x2000  }
0x115: {  	[sflag:s10] =	ssyncset.done $0x0  }
0x116: {  	[sflag:s10] =	ssyncadd.s32 $0xFFFFE000  }
0x117: {  	[tilespmem:s14], [sflag:$0x1] =	stream.indirect.gather [hbm4b:s4+s13], $0x80, s22, s13, $0xb8;
	[tilespmem:$0x18C00] =	vst v63  }
0x118: {  	_ = 	snop  }
0x119: {  	[tilespmem:s15], [sflag:$0x2] =	stream.indirect.gather [hbm4b:s4+s13], $0x80, s23, s13, $0xb8;
	[tilespmem:$0x18C00] =	vst v63  }
0x11a: {  	_ =	swait.ge [sflag:s16], $0x2000  }
0x11b: {  	[sflag:s16] =	ssyncset.done $0x0  }
0x11c: {  	[sflag:s16] =	ssyncadd.s32 $0xFFFFE000  }
0x11d: {  	[spmem:s2] =	stream.indirect.scatter.add.f32 [tilespmem:s14], [sflag:$0x3], $0x80, s24, s13, $0xb8;
	[tilespmem:$0x18C00] =	vst v63  }
0x11e: {  	_ =	swait.ge [sflag:s10], $0x2000  }
0x11f: {  	[sflag:s10] =	ssyncset.done $0x0  }
0x120: {  	[sflag:s10] =	ssyncadd.s32 $0xFFFFE000  }
0x121: {  	_ =	swait.ge [sflag:s17], $0x2000  }
0x122: {  	[sflag:s17] =	ssyncset.done $0x0  }
0x123: {  	[sflag:s17] =	ssyncadd.s32 $0xFFFFE000  }
0x124: {  	[spmem:s2] =	stream.indirect.scatter.add.f32 [tilespmem:s15], [sflag:$0x3], $0x80, s25, s13, $0xb8;
	[tilespmem:$0x18C00] =	vst v63  }
0x125: {  	_ =	swait.ge [sflag:s10], $0x2000  }
0x126: {  	[sflag:s10] =	ssyncset.done $0x0  }
0x127: {  	[sflag:s10] =	ssyncadd.s32 $0xFFFFE000  }
0x128: {  	[tilespmem:s14], [sflag:$0x1] =	stream.indirect.gather [hbm4b:s4+s13], $0x80, s26, s13, $0xb8;
	[tilespmem:$0x18C00] =	vst v63  }
0x129: {  	_ = 	snop  }
0x12a: {  	[tilespmem:s15], [sflag:$0x2] =	stream.indirect.gather [hbm4b:s4+s13], $0x80, s28, s13, $0xb8;
	[tilespmem:$0x18C00] =	vst v63  }
0x12b: {  	_ =	swait.ge [sflag:s16], $0x2000  }
0x12c: {  	[sflag:s16] =	ssyncset.done $0x0  }
0x12d: {  	[sflag:s16] =	ssyncadd.s32 $0xFFFFE000  }
0x12e: {  	[spmem:s2] =	stream.indirect.scatter.add.f32 [tilespmem:s14], [sflag:$0x3], $0x80, s29, s13, $0xb8;
	[tilespmem:$0x18C00] =	vst v63  }
0x12f: {  	_ =	swait.ge [sflag:s10], $0x2000  }
0x130: {  	[sflag:s10] =	ssyncset.done $0x0  }
0x131: {  	[sflag:s10] =	ssyncadd.s32 $0xFFFFE000  }
0x132: {  	_ =	swait.ge [sflag:s17], $0x2000  }
0x133: {  	[sflag:s17] =	ssyncset.done $0x0  }
0x134: {  	[sflag:s17] =	ssyncadd.s32 $0xFFFFE000  }
0x135: {  	[spmem:s2] =	stream.indirect.scatter.add.f32 [tilespmem:s15], [sflag:$0x3], $0x80, s30, s13, $0xb8;
	[tilespmem:$0x18C00] =	vst v63  }
0x136: {  	_ =	swait.ge [sflag:s10], $0x2000  }
0x137: {  	[sflag:s10] =	ssyncset.done $0x0  }
0x138: {  	[sflag:s10] =	ssyncadd.s32 $0xFFFFE000  }
0x139: {  	[tilespmem:s14], [sflag:$0x1] =	stream.indirect.gather [hbm4b:s4+s13], $0x80, s31, s13, $0xb8;
	[tilespmem:$0x18C00] =	vst v63  }
0x13a: {  	_ = 	snop  }
0x13b: {  	[tilespmem:s15], [sflag:$0x2] =	stream.indirect.gather [hbm4b:s4+s13], $0x80, s1, s13, $0xb8;
	[tilespmem:$0x18C00] =	vst v63  }
0x13c: {  	_ =	swait.ge [sflag:s16], $0x2000  }
0x13d: {  	[sflag:s16] =	ssyncset.done $0x0  }
0x13e: {  	[sflag:s16] =	ssyncadd.s32 $0xFFFFE000  }
0x13f: {  	[spmem:s2] =	stream.indirect.scatter.add.f32 [tilespmem:s14], [sflag:$0x3], $0x80, s0, s13, $0xb8;
	[tilespmem:$0x18C00] =	vst v63  }
0x140: {  	_ =	swait.ge [sflag:s10], $0x2000  }
0x141: {  	[sflag:s10] =	ssyncset.done $0x0  }
0x142: {  	[sflag:s10] =	ssyncadd.s32 $0xFFFFE000  }
0x143: {  	p0 =	sne.s32 s6, $0x900;
	_ =	swait.ge [sflag:s17], $0x2000  }
.Ltmp0:
0x144: {  	[sflag:s17] =	ssyncset.done $0x0;
	(pc) =	sbr.rel @p0 .LBB2_2-.Ltmp0, $4  }
0x145: {  	[sflag:s17] =	ssyncadd.s32 $0xFFFFE000  }
0x146: {  	[spmem:s2] =	stream.indirect.scatter.add.f32 [tilespmem:s15], [sflag:$0x3], $0x80, s5, s13, $0xb8;
	[tilespmem:$0x18C00] =	vst v63  }
0x147: {  	_ =	swait.ge [sflag:s10], $0x2000  }
0x148: {  	s6 =	sadd.s32 $0x100, s6;
	s9 =	rddreg [dreg:$0x4];
	[sflag:s10] =	ssyncset.done $0x0  }
0x149: {  	[sflag:s10] =	ssyncadd.s32 $0xFFFFE000;
	s6 =	sadd.s32 s8, s9  }
0x14a: {  	[tilespmem:s11], [sflag:$0x3] =	stream.linear.gather [hbm4b:s6+s3], $0x800, $0x38;
	[tilespmem:$0x18C00] =	vst v63  }
0x14b: {  	_ =	swait.ge [sflag:s10], $0x800  }
0x14c: {  	s9 =	rddreg [dreg:$0x3];
	[sflag:s10] =	ssyncset.done $0x0  }
0x14d: {  	[sflag:s10] =	ssyncadd.s32 $0xFFFFF800;
	s6 =	sadd.s32 s8, s9  }
0x14e: {  	[tilespmem:s12], [sflag:$0x3] =	stream.linear.gather [hbm4b:s6+s3], $0x800, $0x38;
	[tilespmem:$0x18C00] =	vst v63  }
0x14f: {  	_ =	swait.ge [sflag:s10], $0x800  }
0x150: {  	[sflag:s10] =	ssyncset.done $0x0  }
0x151: {  	[sflag:s10] =	ssyncadd.s32 $0xFFFFF800  }
0x152: {  	[tilespmem:s14], [sflag:$0x1] =	stream.indirect.gather [hbm4b:s4+s13], $0x80, s11, s13, $0xb8;
	[tilespmem:$0x18C00] =	vst v63  }
0x153: {  	s7 =	rddreg [dreg:$0x5]  }
0x154: {  	[tilespmem:s15], [sflag:$0x2] =	stream.indirect.gather [hbm4b:s4+s13], $0x80, s7, s13, $0xb8;
	[tilespmem:$0x18C00] =	vst v63  }
0x155: {  	_ =	swait.ge [sflag:s16], $0x2000  }
0x156: {  	[sflag:s16] =	ssyncset.done $0x0  }
0x157: {  	[sflag:s16] =	ssyncadd.s32 $0xFFFFE000  }
0x158: {  	[spmem:s2] =	stream.indirect.scatter.add.f32 [tilespmem:s14], [sflag:$0x3], $0x80, s12, s13, $0xb8;
	[tilespmem:$0x18C00] =	vst v63  }
0x159: {  	_ =	swait.ge [sflag:s10], $0x2000  }
0x15a: {  	[sflag:s10] =	ssyncset.done $0x0  }
0x15b: {  	[sflag:s10] =	ssyncadd.s32 $0xFFFFE000  }
0x15c: {  	_ =	swait.ge [sflag:s17], $0x2000  }
0x15d: {  	[sflag:s17] =	ssyncset.done $0x0  }
0x15e: {  	s8 =	rddreg [dreg:$0x6];
	[sflag:s17] =	ssyncadd.s32 $0xFFFFE000  }
0x15f: {  	[spmem:s2] =	stream.indirect.scatter.add.f32 [tilespmem:s15], [sflag:$0x3], $0x80, s8, s13, $0xb8;
	[tilespmem:$0x18C00] =	vst v63  }
0x160: {  	_ =	swait.ge [sflag:s10], $0x2000  }
0x161: {  	[sflag:s10] =	ssyncset.done $0x0  }
0x162: {  	s9 =	rddreg [dreg:$0x7];
	[sflag:s10] =	ssyncadd.s32 $0xFFFFE000  }
0x163: {  	[tilespmem:s14], [sflag:$0x1] =	stream.indirect.gather [hbm4b:s4+s13], $0x80, s9, s13, $0xb8;
	[tilespmem:$0x18C00] =	vst v63  }
0x164: {  	s7 =	rddreg [dreg:$0x8]  }
0x165: {  	[tilespmem:s15], [sflag:$0x2] =	stream.indirect.gather [hbm4b:s4+s13], $0x80, s7, s13, $0xb8;
	[tilespmem:$0x18C00] =	vst v63  }
0x166: {  	_ =	swait.ge [sflag:s16], $0x2000  }
0x167: {  	[sflag:s16] =	ssyncset.done $0x0  }
0x168: {  	s8 =	rddreg [dreg:$0x9];
	[sflag:s16] =	ssyncadd.s32 $0xFFFFE000  }
0x169: {  	[spmem:s2] =	stream.indirect.scatter.add.f32 [tilespmem:s14], [sflag:$0x3], $0x80, s8, s13, $0xb8;
	[tilespmem:$0x18C00] =	vst v63  }
0x16a: {  	_ =	swait.ge [sflag:s10], $0x2000  }
0x16b: {  	[sflag:s10] =	ssyncset.done $0x0  }
0x16c: {  	[sflag:s10] =	ssyncadd.s32 $0xFFFFE000  }
0x16d: {  	_ =	swait.ge [sflag:s17], $0x2000  }
0x16e: {  	[sflag:s17] =	ssyncset.done $0x0  }
0x16f: {  	s9 =	rddreg [dreg:$0xa];
	[sflag:s17] =	ssyncadd.s32 $0xFFFFE000  }
0x170: {  	[spmem:s2] =	stream.indirect.scatter.add.f32 [tilespmem:s15], [sflag:$0x3], $0x80, s9, s13, $0xb8;
	[tilespmem:$0x18C00] =	vst v63  }
0x171: {  	_ =	swait.ge [sflag:s10], $0x2000  }
0x172: {  	[sflag:s10] =	ssyncset.done $0x0  }
0x173: {  	s7 =	rddreg [dreg:$0xb];
	[sflag:s10] =	ssyncadd.s32 $0xFFFFE000  }
0x174: {  	[tilespmem:s14], [sflag:$0x1] =	stream.indirect.gather [hbm4b:s4+s13], $0x80, s7, s13, $0xb8;
	[tilespmem:$0x18C00] =	vst v63  }
0x175: {  	s8 =	rddreg [dreg:$0xc]  }
0x176: {  	[tilespmem:s15], [sflag:$0x2] =	stream.indirect.gather [hbm4b:s4+s13], $0x80, s8, s13, $0xb8;
	[tilespmem:$0x18C00] =	vst v63  }
0x177: {  	_ =	swait.ge [sflag:s16], $0x2000  }
0x178: {  	[sflag:s16] =	ssyncset.done $0x0  }
0x179: {  	s9 =	rddreg [dreg:$0xd];
	[sflag:s16] =	ssyncadd.s32 $0xFFFFE000  }
0x17a: {  	[spmem:s2] =	stream.indirect.scatter.add.f32 [tilespmem:s14], [sflag:$0x3], $0x80, s9, s13, $0xb8;
	[tilespmem:$0x18C00] =	vst v63  }
0x17b: {  	_ =	swait.ge [sflag:s10], $0x2000  }
0x17c: {  	[sflag:s10] =	ssyncset.done $0x0  }
0x17d: {  	[sflag:s10] =	ssyncadd.s32 $0xFFFFE000  }
0x17e: {  	_ =	swait.ge [sflag:s17], $0x2000  }
0x17f: {  	[sflag:s17] =	ssyncset.done $0x0  }
0x180: {  	s7 =	rddreg [dreg:$0xe];
	[sflag:s17] =	ssyncadd.s32 $0xFFFFE000  }
0x181: {  	[spmem:s2] =	stream.indirect.scatter.add.f32 [tilespmem:s15], [sflag:$0x3], $0x80, s7, s13, $0xb8;
	[tilespmem:$0x18C00] =	vst v63  }
0x182: {  	_ =	swait.ge [sflag:s10], $0x2000  }
0x183: {  	[sflag:s10] =	ssyncset.done $0x0  }
0x184: {  	s8 =	rddreg [dreg:$0xf];
	[sflag:s10] =	ssyncadd.s32 $0xFFFFE000  }
0x185: {  	[tilespmem:s14], [sflag:$0x1] =	stream.indirect.gather [hbm4b:s4+s13], $0x80, s8, s13, $0xb8;
	[tilespmem:$0x18C00] =	vst v63  }
0x186: {  	s9 =	rddreg [dreg:$0x10]  }
0x187: {  	[tilespmem:s15], [sflag:$0x2] =	stream.indirect.gather [hbm4b:s4+s13], $0x80, s9, s13, $0xb8;
	[tilespmem:$0x18C00] =	vst v63  }
0x188: {  	_ =	swait.ge [sflag:s16], $0x2000  }
0x189: {  	[sflag:s16] =	ssyncset.done $0x0  }
0x18a: {  	s7 =	rddreg [dreg:$0x11];
	[sflag:s16] =	ssyncadd.s32 $0xFFFFE000  }
0x18b: {  	[spmem:s2] =	stream.indirect.scatter.add.f32 [tilespmem:s14], [sflag:$0x3], $0x80, s7, s13, $0xb8;
	[tilespmem:$0x18C00] =	vst v63  }
0x18c: {  	_ =	swait.ge [sflag:s10], $0x2000  }
0x18d: {  	[sflag:s10] =	ssyncset.done $0x0  }
0x18e: {  	[sflag:s10] =	ssyncadd.s32 $0xFFFFE000  }
0x18f: {  	_ =	swait.ge [sflag:s17], $0x2000  }
0x190: {  	[sflag:s17] =	ssyncset.done $0x0  }
0x191: {  	s8 =	rddreg [dreg:$0x12];
	[sflag:s17] =	ssyncadd.s32 $0xFFFFE000  }
0x192: {  	[spmem:s2] =	stream.indirect.scatter.add.f32 [tilespmem:s15], [sflag:$0x3], $0x80, s8, s13, $0xb8;
	[tilespmem:$0x18C00] =	vst v63  }
0x193: {  	_ =	swait.ge [sflag:s10], $0x2000  }
0x194: {  	[sflag:s10] =	ssyncset.done $0x0  }
0x195: {  	[sflag:s10] =	ssyncadd.s32 $0xFFFFE000  }
0x196: {  	[tilespmem:s14], [sflag:$0x1] =	stream.indirect.gather [hbm4b:s4+s13], $0x80, s18, s13, $0xb8;
	[tilespmem:$0x18C00] =	vst v63  }
0x197: {  	_ = 	snop  }
0x198: {  	[tilespmem:s15], [sflag:$0x2] =	stream.indirect.gather [hbm4b:s4+s13], $0x80, s19, s13, $0xb8;
	[tilespmem:$0x18C00] =	vst v63  }
0x199: {  	_ =	swait.ge [sflag:s16], $0x2000  }
0x19a: {  	[sflag:s16] =	ssyncset.done $0x0  }
0x19b: {  	[sflag:s16] =	ssyncadd.s32 $0xFFFFE000  }
0x19c: {  	[spmem:s2] =	stream.indirect.scatter.add.f32 [tilespmem:s14], [sflag:$0x3], $0x80, s20, s13, $0xb8;
	[tilespmem:$0x18C00] =	vst v63  }
0x19d: {  	_ =	swait.ge [sflag:s10], $0x2000  }
0x19e: {  	[sflag:s10] =	ssyncset.done $0x0  }
0x19f: {  	[sflag:s10] =	ssyncadd.s32 $0xFFFFE000  }
0x1a0: {  	_ =	swait.ge [sflag:s17], $0x2000  }
0x1a1: {  	[sflag:s17] =	ssyncset.done $0x0  }
0x1a2: {  	[sflag:s17] =	ssyncadd.s32 $0xFFFFE000  }
0x1a3: {  	[spmem:s2] =	stream.indirect.scatter.add.f32 [tilespmem:s15], [sflag:$0x3], $0x80, s21, s13, $0xb8;
	[tilespmem:$0x18C00] =	vst v63  }
0x1a4: {  	_ =	swait.ge [sflag:s10], $0x2000  }
0x1a5: {  	[sflag:s10] =	ssyncset.done $0x0  }
0x1a6: {  	[sflag:s10] =	ssyncadd.s32 $0xFFFFE000  }
0x1a7: {  	[tilespmem:s14], [sflag:$0x1] =	stream.indirect.gather [hbm4b:s4+s13], $0x80, s22, s13, $0xb8;
	[tilespmem:$0x18C00] =	vst v63  }
0x1a8: {  	_ = 	snop  }
0x1a9: {  	[tilespmem:s15], [sflag:$0x2] =	stream.indirect.gather [hbm4b:s4+s13], $0x80, s23, s13, $0xb8;
	[tilespmem:$0x18C00] =	vst v63  }
0x1aa: {  	_ =	swait.ge [sflag:s16], $0x2000  }
0x1ab: {  	[sflag:s16] =	ssyncset.done $0x0  }
0x1ac: {  	[sflag:s16] =	ssyncadd.s32 $0xFFFFE000  }
0x1ad: {  	[spmem:s2] =	stream.indirect.scatter.add.f32 [tilespmem:s14], [sflag:$0x3], $0x80, s24, s13, $0xb8;
	[tilespmem:$0x18C00] =	vst v63  }
0x1ae: {  	_ =	swait.ge [sflag:s10], $0x2000  }
0x1af: {  	[sflag:s10] =	ssyncset.done $0x0  }
0x1b0: {  	[sflag:s10] =	ssyncadd.s32 $0xFFFFE000  }
0x1b1: {  	_ =	swait.ge [sflag:s17], $0x2000  }
0x1b2: {  	[sflag:s17] =	ssyncset.done $0x0  }
0x1b3: {  	[sflag:s17] =	ssyncadd.s32 $0xFFFFE000  }
0x1b4: {  	[spmem:s2] =	stream.indirect.scatter.add.f32 [tilespmem:s15], [sflag:$0x3], $0x80, s25, s13, $0xb8;
	[tilespmem:$0x18C00] =	vst v63  }
0x1b5: {  	_ =	swait.ge [sflag:s10], $0x2000  }
0x1b6: {  	[sflag:s10] =	ssyncset.done $0x0  }
0x1b7: {  	[sflag:s10] =	ssyncadd.s32 $0xFFFFE000  }
0x1b8: {  	[tilespmem:s14], [sflag:$0x1] =	stream.indirect.gather [hbm4b:s4+s13], $0x80, s26, s13, $0xb8;
	[tilespmem:$0x18C00] =	vst v63  }
0x1b9: {  	_ = 	snop  }
0x1ba: {  	[tilespmem:s15], [sflag:$0x2] =	stream.indirect.gather [hbm4b:s4+s13], $0x80, s28, s13, $0xb8;
	[tilespmem:$0x18C00] =	vst v63  }
0x1bb: {  	_ =	swait.ge [sflag:s16], $0x2000  }
0x1bc: {  	[sflag:s16] =	ssyncset.done $0x0  }
0x1bd: {  	[sflag:s16] =	ssyncadd.s32 $0xFFFFE000  }
0x1be: {  	[spmem:s2] =	stream.indirect.scatter.add.f32 [tilespmem:s14], [sflag:$0x3], $0x80, s29, s13, $0xb8;
	[tilespmem:$0x18C00] =	vst v63  }
0x1bf: {  	_ =	swait.ge [sflag:s10], $0x2000  }
0x1c0: {  	[sflag:s10] =	ssyncset.done $0x0  }
0x1c1: {  	[sflag:s10] =	ssyncadd.s32 $0xFFFFE000  }
0x1c2: {  	_ =	swait.ge [sflag:s17], $0x2000  }
0x1c3: {  	[sflag:s17] =	ssyncset.done $0x0  }
0x1c4: {  	[sflag:s17] =	ssyncadd.s32 $0xFFFFE000  }
0x1c5: {  	[spmem:s2] =	stream.indirect.scatter.add.f32 [tilespmem:s15], [sflag:$0x3], $0x80, s30, s13, $0xb8;
	[tilespmem:$0x18C00] =	vst v63  }
0x1c6: {  	_ =	swait.ge [sflag:s10], $0x2000  }
0x1c7: {  	[sflag:s10] =	ssyncset.done $0x0  }
0x1c8: {  	[sflag:s10] =	ssyncadd.s32 $0xFFFFE000  }
0x1c9: {  	[tilespmem:s14], [sflag:$0x1] =	stream.indirect.gather [hbm4b:s4+s13], $0x80, s31, s13, $0xb8;
	[tilespmem:$0x18C00] =	vst v63  }
0x1ca: {  	_ = 	snop  }
0x1cb: {  	[tilespmem:s15], [sflag:$0x2] =	stream.indirect.gather [hbm4b:s4+s13], $0x80, s1, s13, $0xb8;
	[tilespmem:$0x18C00] =	vst v63  }
0x1cc: {  	_ =	swait.ge [sflag:s16], $0x2000  }
0x1cd: {  	[sflag:s16] =	ssyncset.done $0x0  }
0x1ce: {  	[sflag:s16] =	ssyncadd.s32 $0xFFFFE000  }
0x1cf: {  	[spmem:s2] =	stream.indirect.scatter.add.f32 [tilespmem:s14], [sflag:$0x3], $0x80, s0, s13, $0xb8;
	[tilespmem:$0x18C00] =	vst v63  }
0x1d0: {  	_ =	swait.ge [sflag:s10], $0x2000  }
0x1d1: {  	[sflag:s10] =	ssyncset.done $0x0  }
0x1d2: {  	[sflag:s10] =	ssyncadd.s32 $0xFFFFE000  }
0x1d3: {  	_ =	swait.ge [sflag:s17], $0x2000  }
0x1d4: {  	[sflag:s17] =	ssyncset.done $0x0  }
0x1d5: {  	[sflag:s17] =	ssyncadd.s32 $0xFFFFE000  }
0x1d6: {  	[spmem:s2] =	stream.indirect.scatter.add.f32 [tilespmem:s15], [sflag:$0x3], $0x80, s5, s13, $0xb8;
	[tilespmem:$0x18C00] =	vst v63  }
0x1d7: {  	_ =	swait.ge [sflag:s10], $0x2000  }
0x1d8: {  	[sflag:s10] =	ssyncset.done $0x0  }
0x1d9: {  	[sflag:s10] =	ssyncadd.s32 $0xFFFFE000  }
0x1da: {  	[bflag:$0x0] =	sbarrier.arrive $0xFFFF  }
0x1db: {  	s8 =	rddreg [dreg:$0x14]  }
0x1dc: {  	s9 =	rddreg [dreg:$0x15]  }
0x1dd: {  	s7 =	rddreg [dreg:$0x17]  }
0x1de: {  	[hbm:s9], [sflag:s8] =	dma.local [spmem:s7], $0x2780  }
0x1df: {  	_ =	swait.ge [sflag:s10], $0x2780  }
0x1e0: {  	s6 =	rddreg [dreg:$0x18]  }
0x1e1: {  	s9 =	sadd.s32 $0x1, s6;
	s6 =	rddreg [dreg:$0x16]  }
0x1e2: {  	p0 =	sne.s32 s9, s6  }
.Ltmp1:
0x1e3: {  	_ = 	snop;
	(pc) =	sbr.rel @p0 .LBB2_1-.Ltmp1, $3  }
0x1e4: {  	_ =	sdelay $0x1  }
0x1e5: {  	[sflag:s10] =	ssyncset.done $0x0  }
0x1e6: {  	[sflag:s10] =	ssyncadd.s32 $0xFFFFD880  }
0x1e7: {  	_ =	sfence.sel $0x180000  }
0x1e8: {  	[bflag:$0x0] =	sbarrier.arrive $0xFFFF  }
0x1e9: {  	_ =	strace $0x9000004D  }
0x1ea: {  	s0 =	stileid.u32;
	[bflag:$0x2] =	sbarrier.arrive $0xFFFF  }
0x1eb: {  	p0 =	sne.s32 s0, $0x0;
	s0 =	rddreg [dreg:$0x2]  }
0x1ec: {  	s0 =	sadd.s32 @!p0 $0x100000, s0  }
0x1ed: {  	[sflag:s0] =	ssyncadd.tile.s32 @!p0 $0x1;
	_ =	shalt  }
.Lfunc_end2:
_tile_overlayer_lowered:
.L_overlay_start_2:
0x1ee: {  	(tag) =	ssettag $0x2  }
0x1ef: {  	s0 =	rddreg [dreg:$0x0];
	s2 =	stileid.u32  }
0x1f0: {  	s1 =	rddreg [dreg:$0x1];
	p0 =	sne.s32 s2, $0x0  }
0x1f1: {  	s3 =	rddreg [dreg:$0x2];
	[bflag:$0x3] =	sbarrier.arrive $0xFFFF;
	s2 =	simm.s32 @!p0 $0x1C03  }
0x1f2: {  	[timem:s3], [sflag:s2] =	dma.local @!p0 [hbm:s0], s1  }
0x1f3: {  	s0 =	simm.s32 @!p0 $0x3  }
0x1f4: {  	_ =	swait.ge @!p0 [sflag:s0], s1  }
0x1f5: {  	s1 =	ssub.s32 @!p0 $0x0, s1;
	[sflag:s0] =	ssyncset.done @!p0 $0x0  }
0x1f6: {  	[sflag:s0] =	ssyncadd.s32 @!p0 s1  }
0x1f7: {  	[bflag:$0x3] =	sbarrier.arrive $0xFFFF  }
0x1f8: {  	_ =	shalt  }

// kernel: kernel.7.cloned.1.call-start
scs
__scs_entry_jumppad:
0x0: {  	(pc) =	sbr.rel $0x88, $3  }
0x1: {  	(tag) =	ssettag $0x0;
	lr =	simm.s32 $0x1  }
0x2: {  	[smem:$0x3F99] =	sst lr;
	_ =	strace $0xD0000000  }
0x3: {  	_ = 	snop  }
0x4: {  	_ = 	snop  }
0x5: {  	_ = 	snop  }
0x6: {  	_ = 	snop  }
0x7: {  	_ = 	snop  }
__scs_overlays_trampoline_lowered:
0x8: {  	[smem:$0x3FA8] =	sst s0  }
0x9: {  	[smem:$0x3FA9] =	sst s1  }
0xa: {  	[smem:$0x3FAA] =	sst s2  }
0xb: {  	[smem:$0x3FAB] =	sst s3  }
0xc: {  	[smem:$0x3FAC] =	sst s4  }
0xd: {  	[smem:$0x3FAD] =	sst s5  }
0xe: {  	[smem:$0x3FAE] =	sst s6  }
0xf: {  	[smem:$0x3FAF] =	sst s7  }
0x10: {  	[smem:$0x3FB0] =	sst s8  }
0x11: {  	[smem:$0x3FB1] =	sst s9;
	s0 =	simm.s32 @!p0 $0x0  }
0x12: {  	s1 =	sld [smem:$0x3F97];
	s0 =	simm.s32 @p0 $0x1  }
0x13: {  	[smem:$0x3FB2] =	sst s0;
	s0 =	simm.s32 @!p1 $0x0  }
0x14: {  	s2 =	sld [smem:$0x3F96];
	s0 =	simm.s32 @p1 $0x1  }
0x15: {  	[smem:$0x3FB3] =	sst s0;
	s0 =	simm.s32 @!p2 $0x0  }
0x16: {  	s3 =	sld [smem:$0x3FDB];
	s0 =	simm.s32 @p2 $0x1  }
0x17: {  	s4 =	simm.s32 $0x1BF5;
	[smem:$0x3FB5] =	sst s0  }
0x18: {  	s0 =	sld [smem:$0x3F98];
	_ =	swait.ge [sflag:s4], $0x0  }
0x19: {  	s7 =	sld [smem:$0x3F99]  }
0x1a: {  	s8 =	sadd.s32 $0xFFFFE003, lr  }
0x1b: {  	s9 =	sadd.s32 $0xFFFFFEF7, lr;
	s5 =	simm.s32 $0xFFFFFFFF;
	p2 =	slt.u32 s8, $0xFFFFF086  }
0x1c: {  	p1 =	slt.u32 s9, $0xF7A;
	s5 =	simm.s32 @!p2 $0x0  }
0x1d: {  	s5 =	simm.s32 @p1 $0x1;
	p0 =	seq.s32 s7, s2  }
0x1e: {  	s7 =	smul.u32 @!p0 $0xF7A, s2;
	p2 =	seq.s32 @!p0 s5, $0x0  }
0x1f: {  	s9 =	smul.u32 $0xF7A, s1;
	s8 =	simm.s32 @!p0 $0x1BF5;
	p2 =	por !p2, p0  }
0x20: {  	[sflag:s8] =	ssyncset.s32 @!p0 $0xFFFFF086;
	s6 =	sadd.s32 @!p0 s3, s7;
	s7 =	simm.s32 @!p0 $0x108  }
0x21: {  	s3 =	sadd.s32 s3, s9;
	s6 =	sadd.s32 @!p0 $0x88, s6;
	s7 =	simm.s32 @p2 $0x1082  }
0x22: {  	[simem:s7], [sflag:s8] =	dma.local @!p0 [hbm:s6], $0xF7A  }
0x23: {  	s9 =	sor.u32 $0xD0000000, s2;
	s6 =	simm.s32 $0x108;
	_ =	swait.ge @!p0 [sflag:s8], $0x0  }
0x24: {  	s3 =	sadd.s32 $0x88, s3;
	s6 =	simm.s32 @!p1 $0x1082;
	[sflag:s4] =	ssyncset.s32 $0xFFFFF086  }
0x25: {  	[simem:s6], [sflag:s4] =	dma.local [hbm:s3], $0xF7A  }
0x26: {  	[smem:$0x3F99] =	sst s1;
	(tag) =	ssettag s2;
	_ =	strace s9  }
0x27: {  	s1 =	sld [smem:$0x3FA9]  }
0x28: {  	s2 =	sld [smem:$0x3FAA]  }
0x29: {  	s4 =	sld [smem:$0x3FAC]  }
0x2a: {  	p0 =	seq.s32 s5, $0x0;
	s5 =	sld [smem:$0x3FAD]  }
0x2b: {  	s6 =	sld [smem:$0x3FAE]  }
0x2c: {  	s7 =	sld [smem:$0x3FAF]  }
0x2d: {  	s3 =	simm.s32 $0x108;
	s8 =	sld [smem:$0x3FB0]  }
0x2e: {  	s3 =	simm.s32 @!p0 $0x1082;
	s9 =	sld [smem:$0x3FB1]  }
0x2f: {  	lr =	sadd.s32 s0, s3;
	s0 =	sld [smem:$0x3FA8]  }
0x30: {  	s3 =	sld [smem:$0x3FAB]  }
0x31: {  	[smem:$0x3FB4] =	sst s10  }
0x32: {  	s10 =	sld [smem:$0x3FB2];
	_ =	sdelay $0x3  }
0x33: {  	p0 =	seq.s32 s10, $0x1;
	s10 =	sld [smem:$0x3FB4];
	_ =	sdelay $0x3  }
0x34: {  	[smem:$0x3FB4] =	sst s10  }
0x35: {  	s10 =	sld [smem:$0x3FB3];
	_ =	sdelay $0x3  }
0x36: {  	p1 =	seq.s32 s10, $0x1;
	s10 =	sld [smem:$0x3FB4];
	_ =	sdelay $0x3  }
0x37: {  	[smem:$0x3FB4] =	sst s10  }
0x38: {  	s10 =	sld [smem:$0x3FB5]  }
0x39: {  	_ = 	snop;
	(pc) =	sbr.ind lr, $3  }
0x3a: {  	_ = 	snop  }
0x3b: {  	_ = 	snop  }
0x3c: {  	p2 =	seq.s32 s10, $0x1;
	s10 =	sld [smem:$0x3FB4]  }
0x3d: {  	_ =	shalt  }
0x3e: {  	_ =	shalt  }
0x3f: {  	_ =	shalt  }
0x40: {  	_ =	shalt  }
0x41: {  	_ =	shalt  }
0x42: {  	_ =	shalt  }
0x43: {  	_ =	shalt  }
0x44: {  	_ =	shalt  }
0x45: {  	_ =	shalt  }
0x46: {  	_ =	shalt  }
0x47: {  	_ =	shalt  }
0x48: {  	_ =	shalt  }
0x49: {  	_ =	shalt  }
0x4a: {  	_ =	shalt  }
0x4b: {  	_ =	shalt  }
0x4c: {  	_ =	shalt  }
0x4d: {  	_ =	shalt  }
0x4e: {  	_ =	shalt  }
0x4f: {  	_ =	shalt  }
0x50: {  	_ =	shalt  }
0x51: {  	_ =	shalt  }
0x52: {  	_ =	shalt  }
0x53: {  	_ =	shalt  }
0x54: {  	_ =	shalt  }
0x55: {  	_ =	shalt  }
0x56: {  	_ =	shalt  }
0x57: {  	_ =	shalt  }
0x58: {  	_ =	shalt  }
0x59: {  	_ =	shalt  }
0x5a: {  	_ =	shalt  }
0x5b: {  	_ =	shalt  }
0x5c: {  	_ =	shalt  }
0x5d: {  	_ =	shalt  }
0x5e: {  	_ =	shalt  }
0x5f: {  	_ =	shalt  }
0x60: {  	_ =	shalt  }
0x61: {  	_ =	shalt  }
0x62: {  	_ =	shalt  }
0x63: {  	_ =	shalt  }
0x64: {  	_ =	shalt  }
0x65: {  	_ =	shalt  }
0x66: {  	_ =	shalt  }
0x67: {  	_ =	shalt  }
0x68: {  	_ =	shalt  }
0x69: {  	_ =	shalt  }
0x6a: {  	_ =	shalt  }
0x6b: {  	_ =	shalt  }
0x6c: {  	_ =	shalt  }
0x6d: {  	_ =	shalt  }
0x6e: {  	_ =	shalt  }
0x6f: {  	_ =	shalt  }
0x70: {  	_ =	shalt  }
0x71: {  	_ =	shalt  }
0x72: {  	_ =	shalt  }
0x73: {  	_ =	shalt  }
0x74: {  	_ =	shalt  }
0x75: {  	_ =	shalt  }
0x76: {  	_ =	shalt  }
0x77: {  	_ =	shalt  }
0x78: {  	_ =	shalt  }
0x79: {  	_ =	shalt  }
0x7a: {  	_ =	shalt  }
0x7b: {  	_ =	shalt  }
0x7c: {  	_ =	shalt  }
0x7d: {  	_ =	shalt  }
0x7e: {  	_ =	shalt  }
0x7f: {  	_ =	shalt  }
0x80: {  	_ =	shalt  }
0x81: {  	_ =	shalt  }
0x82: {  	_ =	shalt  }
0x83: {  	_ =	shalt  }
0x84: {  	_ =	shalt  }
0x85: {  	_ =	shalt  }
0x86: {  	_ =	shalt  }
0x87: {  	_ =	shalt  }
.Lfunc_end0:
.L_simem_size_0:
called_computation_lowered:
.L_overlay_start_0:
0x88: {  	s2 =	sld [smem:$0x3FD9]  }
0x89: {  	s3 =	sld [smem:$0x3FFE];
	_ =	sdelay $0x1  }
0x8a: {  	s1 =	srdreg.scid  }
0x8b: {  	s0 =	sand.u32 $0x1, s1  }
0x8c: {  	s17 =	sshll.u32 s0, $0xA;
	s2 =	sadd.s32 s3, s2  }
0x8d: {  	s2 =	sadd.s32 s2, s17  }
0x8e: {  	[smem:$0x3FC0] =	sst s2  }
0x8f: {  	_ = 	snop  }
0x90: {  	s2 =	sld [smem:$0x3FD0];
	(tm) =	ssettm $0x1  }
0x91: {  	s18 =	sld [smem:$0x3FFB];
	_ =	sdelay $0x3  }
0x92: {  	_ =	strace s18  }
0x93: {  	s3 =	sld [smem:$0x3FFC];
	_ =	sdelay $0x3  }
0x94: {  	_ =	strace s3  }
0x95: {  	s3 =	sld [smem:$0x3FFD];
	_ =	sdelay $0x3  }
0x96: {  	_ =	strace s3  }
0x97: {  	_ =	strace $0x8FFFFFFF  }
0x98: {  	s19 =	sld [smem:$0x3FDB];
	_ =	sdelay $0x1  }
0x99: {  	s4 =	simm.s32 $_scs_section_size  }
0x9a: {  	s5 =	simm.s32 $_size__tile_overlayer_lowered;
	s6 =	simm.s32 $_tile_overlayer_lowered  }
0x9b: {  	s22 =	simm.s32 $0x1BFF;
	s21 =	sshll.u32 s6, $0x1;
	s3 =	sadd.s32 s4, s19  }
0x9c: {  	s7 =	simm.s32 $0x0;
	s20 =	sshll.u32 s5, $0x1;
	s5 =	sadd.s32 s21, s3  }
0x9d: {  	[timem:s7], [sflag:s22] =	dma.local [hbm:s5], s20  }
0x9e: {  	_ =	swait.ge [sflag:s22], s20  }
0x9f: {  	s4 =	ssub.s32 $0x0, s20;
	[sflag:s22] =	ssyncset.done $0x0  }
0xa0: {  	[sflag:s22] =	ssyncadd.s32 s4;
	_ =	sdelay $0x1  }
0xa1: {  	s23 =	simm.s32 $0x1B8B  }
0xa2: {  	_ =	swait.ge [sflag:s23], $0x1  }
0xa3: {  	[sflag:s23] =	ssyncset.done $0x0  }
0xa4: {  	s25 =	simm.s32 $0x1B8E;
	s24 =	sld [smem:$0x3FFE];
	[sflag:s23] =	ssyncadd.s32 $0xFFFFFFFF  }
0xa5: {  	s26 =	simm.s32 $execute0_lowered;
	[smem:$0x3FD2] =	sst s25  }
0xa6: {  	s5 =	sshll.u32 s26, $0x1;
	_ =	strace $0x80000046;
	[dreg:$0x1] =	wrdreg $0xFFFFFFFF  }
0xa7: {  	s28 =	simm.s32 $_size_execute0_lowered;
	s3 =	sadd.s32 s3, s5;
	[dreg:$0x0] =	wrdreg $0x0  }
0xa8: {  	s5 =	sshll.u32 s28, $0x1;
	[dreg:$0x2] =	wrdreg s3  }
0xa9: {  	[dreg:$0x3] =	wrdreg s5  }
0xaa: {  	[dreg:$0x4] =	wrdreg $0xC0  }
0xab: {  	_ =	task [dreg:s7], $0x5FFFF  }
0xac: {  	[dreg:$0x1] =	wrdreg $0xFFFFFFFF  }
0xad: {  	[dreg:$0x0] =	wrdreg $0x60  }
0xae: {  	[dreg:$0x2] =	wrdreg s24  }
0xaf: {  	[dreg:$0x3] =	wrdreg s2  }
0xb0: {  	[dreg:$0x4] =	wrdreg $0x0  }
0xb1: {  	[dreg:$0x5] =	wrdreg $0x9  }
0xb2: {  	_ =	task.clear_ibuf [dreg:s7], $0x6FFFF;
	_ =	strace $0x90000046  }
0xb3: {  	s29 =	simm.s32 $0x9;
	_ =	strace $0x80000048  }
0xb4: {  	_ =	swait.ge [sflag:s29], $0x1  }
0xb5: {  	[sflag:s29] =	ssyncadd.s32 $0xFFFFFFFF  }
0xb6: {  	_ =	strace $0x90000048  }
0xb7: {  	_ =	sfence  }
0xb8: {  	s30 =	sld [smem:$0x0];
	_ =	sdelay $0x2  }
0xb9: {  	s31 =	sshll.u32 s1, $0xD;
	s1 =	sshrl.u32 s1, $0x2  }
0xba: {  	s3 =	sand.u32 $0x4000, s31;
	s1 =	sadd.s32 s1, s30  }
0xbb: {  	s0 =	sor.u32 s3, s0;
	s1 =	sshll.u32 s1, $0x11  }
0xbc: {  	s0 =	sor.u32 s1, s0  }
0xbd: {  	s0 =	sadd.s32 $0x8F2B, s0  }
0xbe: {  	[sflag:s0] =	ssyncadd.remote.s32 $0x1  }
0xbf: {  	_ =	sfence.sel $0xFFFF  }
0xc0: {  	[dreg:$0x0] =	wrdreg $0xFFFFFFFF;
	(pc) =	sbr.abs _section_cstart, $3  }
0xc1: {  	[dreg:$0x1] =	wrdreg $0xFFFFFFFF  }
0xc2: {  	_ =	task.clear_ibuf [dreg:s7], $0x2FFFF;
	_ =	strace $0x9FFFFFFF  }
0xc3: {  	(tm) =	ssettm $0x7FFFFFFF  }
tec
execute0_lowered:
.L_overlay_start_1:
0x0: {  	(tag) =	ssettag $0x1  }
0x1: {  	s0 =	rddreg [dreg:$0x0];
	s1 =	srdreg.scid  }
0x2: {  	s8 =	stileid.u32;
	s3 =	rddreg [dreg:$0x2]  }
0x3: {  	s4 =	simm.s32 $0x0;
	s11 =	simm.s32 $0x1;
	s12 =	simm.s32 $0x14400  }
0x4: {  	s13 =	simm.s32 $0x13C00;
	s14 =	simm.s32 $0x40;
	s15 =	simm.s32 $0x13C80  }
0x5: {  	s16 =	simm.s32 $0x13D00;
	s17 =	simm.s32 $0x13D80;
	s18 =	simm.s32 $0x13E00  }
0x6: {  	s19 =	simm.s32 $0x13E80;
	s20 =	simm.s32 $0x13F00;
	s21 =	simm.s32 $0x13F80  }
0x7: {  	s22 =	simm.s32 $0x14000;
	s28 =	simm.s32 $0x14280;
	s5 =	smul.u32 $0x5000, s8  }
0x8: {  	s29 =	simm.s32 $0x14300;
	s30 =	simm.s32 $0x14380;
	s23 =	smul.u32 $0x2780, s8  }
0x9: {  	s31 =	simm.s32 $0x0;
	s1 =	sand.u32 $0x1, s1;
	s7 =	smul.u32 $0x4F000, s8  }
0xa: {  	[smem:$0x7FF] =	sst s4;
	s26 =	sshll.u32 s8, $0x6;
	s2 =	smul.u32 $0x50000, s1  }
0xb: {  	s6 =	smul.u32 $0x27800, s1;
	_ =	strace $0x80000047;
	s1 =	ssub.s32 $0x2, s1  }
0xc: {  	s24 =	sshrl.u32 s1, $0x1;
	s25 =	sshrl.u32 s7, $0x2;
	s2 =	sadd.s32 s5, s2  }
0xd: {  	s6 =	sadd.s32 s23, s6;
	s5 =	sadd.s32 s23, s0;
	s1 =	ssub.s32 s1, s24  }
0xe: {  	s10 =	sadd.s32 s25, s3;
	s23 =	simm.s32 $0x14080;
	s24 =	simm.s32 $0x14100  }
0xf: {  	s25 =	simm.s32 $0x14180;
	s2 =	sshrl.u32 s2, $0x3;
	s5 =	sadd.s32 $0x15E00, s5  }
0x10: {  	s8 =	smax.u32 s1, $0x1;
	s10 =	sshrl.u32 s10, $0x3;
	s2 =	sadd.s32 s2, s0  }
0x11: {  	s0 =	sadd.s32 s6, s0;
	[dreg:$0x4] =	wrdreg s5;
	s6 =	sor.u32 $0x1C01, s26  }
0x12: {  	s26 =	simm.s32 $0x14200;
	s7 =	sadd.s32 $0x3D600, s0;
	s9 =	sadd.s32 $0x1E00, s2  }
.LBB2_1:
0x13: {  	s0 =	rddreg [dreg:$0x4]  }
0x14: {  	[spmem:s10], [sflag:s6] =	dma.local [hbm:s0], $0x2780  }
0x15: {  	_ =	swait.ge [sflag:s11], $0x2780  }
0x16: {  	[sflag:s11] =	ssyncset.done $0x0  }
0x17: {  	[sflag:s11] =	ssyncadd.s32 $0xFFFFD880  }
0x18: {  	s2 =	rddreg [dreg:$0x1]  }
0x19: {  	[tilespmem:s12], [sflag:$0x1] =	stream.linear.gather [hbm4b:s2+s4], $0x2000, $0x38;
	[tilespmem:$0x16400] =	vst v63  }
0x1a: {  	_ =	swait.ge [sflag:s11], $0x2000  }
0x1b: {  	[sflag:s11] =	ssyncset.done $0x0  }
0x1c: {  	[sflag:s11] =	ssyncadd.s32 $0xFFFFE000  }
0x1d: {  	s5 =	sadd.s32 $0x0, s9;
	[bflag:$0x0] =	sbarrier.arrive $0xFFFF  }
0x1e: {  	[tilespmem:s13], [sflag:$0x1] =	stream.linear.gather [hbm4b:s5+s4], $0x800, $0x38;
	[tilespmem:$0x16400] =	vst v63  }
0x1f: {  	_ =	swait.ge [sflag:s11], $0x800  }
0x20: {  	[sflag:s11] =	ssyncset.done $0x0  }
0x21: {  	[sflag:s11] =	ssyncadd.s32 $0xFFFFF800  }
0x22: {  	[spmem:s3] =	stream.indirect.scatter.add.f32 [tilespmem:s12], [sflag:$0x1], $0x80, s13, s14, $0xb8;
	[tilespmem:$0x16400] =	vst v63  }
0x23: {  	_ =	swait.ge [sflag:s11], $0x2000  }
0x24: {  	[sflag:s11] =	ssyncset.done $0x0  }
0x25: {  	[sflag:s11] =	ssyncadd.s32 $0xFFFFE000  }
0x26: {  	[spmem:s3] =	stream.indirect.scatter.add.f32 [tilespmem:s12], [sflag:$0x1], $0x80, s15, s14, $0xb8;
	[tilespmem:$0x16400] =	vst v63  }
0x27: {  	_ =	swait.ge [sflag:s11], $0x2000  }
0x28: {  	[sflag:s11] =	ssyncset.done $0x0  }
0x29: {  	[sflag:s11] =	ssyncadd.s32 $0xFFFFE000  }
0x2a: {  	[spmem:s3] =	stream.indirect.scatter.add.f32 [tilespmem:s12], [sflag:$0x1], $0x80, s16, s14, $0xb8;
	[tilespmem:$0x16400] =	vst v63  }
0x2b: {  	_ =	swait.ge [sflag:s11], $0x2000  }
0x2c: {  	[sflag:s11] =	ssyncset.done $0x0  }
0x2d: {  	[sflag:s11] =	ssyncadd.s32 $0xFFFFE000  }
0x2e: {  	[spmem:s3] =	stream.indirect.scatter.add.f32 [tilespmem:s12], [sflag:$0x1], $0x80, s17, s14, $0xb8;
	[tilespmem:$0x16400] =	vst v63  }
0x2f: {  	_ =	swait.ge [sflag:s11], $0x2000  }
0x30: {  	[sflag:s11] =	ssyncset.done $0x0  }
0x31: {  	[sflag:s11] =	ssyncadd.s32 $0xFFFFE000  }
0x32: {  	[spmem:s3] =	stream.indirect.scatter.add.f32 [tilespmem:s12], [sflag:$0x1], $0x80, s18, s14, $0xb8;
	[tilespmem:$0x16400] =	vst v63  }
0x33: {  	_ =	swait.ge [sflag:s11], $0x2000  }
0x34: {  	[sflag:s11] =	ssyncset.done $0x0  }
0x35: {  	[sflag:s11] =	ssyncadd.s32 $0xFFFFE000  }
0x36: {  	[spmem:s3] =	stream.indirect.scatter.add.f32 [tilespmem:s12], [sflag:$0x1], $0x80, s19, s14, $0xb8;
	[tilespmem:$0x16400] =	vst v63  }
0x37: {  	_ =	swait.ge [sflag:s11], $0x2000  }
0x38: {  	[sflag:s11] =	ssyncset.done $0x0  }
0x39: {  	[sflag:s11] =	ssyncadd.s32 $0xFFFFE000  }
0x3a: {  	[spmem:s3] =	stream.indirect.scatter.add.f32 [tilespmem:s12], [sflag:$0x1], $0x80, s20, s14, $0xb8;
	[tilespmem:$0x16400] =	vst v63  }
0x3b: {  	_ =	swait.ge [sflag:s11], $0x2000  }
0x3c: {  	[sflag:s11] =	ssyncset.done $0x0  }
0x3d: {  	[sflag:s11] =	ssyncadd.s32 $0xFFFFE000  }
0x3e: {  	[spmem:s3] =	stream.indirect.scatter.add.f32 [tilespmem:s12], [sflag:$0x1], $0x80, s21, s14, $0xb8;
	[tilespmem:$0x16400] =	vst v63  }
0x3f: {  	_ =	swait.ge [sflag:s11], $0x2000  }
0x40: {  	[sflag:s11] =	ssyncset.done $0x0  }
0x41: {  	[sflag:s11] =	ssyncadd.s32 $0xFFFFE000  }
0x42: {  	[spmem:s3] =	stream.indirect.scatter.add.f32 [tilespmem:s12], [sflag:$0x1], $0x80, s22, s14, $0xb8;
	[tilespmem:$0x16400] =	vst v63  }
0x43: {  	_ =	swait.ge [sflag:s11], $0x2000  }
0x44: {  	[sflag:s11] =	ssyncset.done $0x0  }
0x45: {  	[sflag:s11] =	ssyncadd.s32 $0xFFFFE000  }
0x46: {  	[spmem:s3] =	stream.indirect.scatter.add.f32 [tilespmem:s12], [sflag:$0x1], $0x80, s23, s14, $0xb8;
	[tilespmem:$0x16400] =	vst v63  }
0x47: {  	_ =	swait.ge [sflag:s11], $0x2000  }
0x48: {  	[sflag:s11] =	ssyncset.done $0x0  }
0x49: {  	[sflag:s11] =	ssyncadd.s32 $0xFFFFE000  }
0x4a: {  	[spmem:s3] =	stream.indirect.scatter.add.f32 [tilespmem:s12], [sflag:$0x1], $0x80, s24, s14, $0xb8;
	[tilespmem:$0x16400] =	vst v63  }
0x4b: {  	_ =	swait.ge [sflag:s11], $0x2000  }
0x4c: {  	[sflag:s11] =	ssyncset.done $0x0  }
0x4d: {  	[sflag:s11] =	ssyncadd.s32 $0xFFFFE000  }
0x4e: {  	[spmem:s3] =	stream.indirect.scatter.add.f32 [tilespmem:s12], [sflag:$0x1], $0x80, s25, s14, $0xb8;
	[tilespmem:$0x16400] =	vst v63  }
0x4f: {  	_ =	swait.ge [sflag:s11], $0x2000  }
0x50: {  	[sflag:s11] =	ssyncset.done $0x0  }
0x51: {  	[sflag:s11] =	ssyncadd.s32 $0xFFFFE000  }
0x52: {  	[spmem:s3] =	stream.indirect.scatter.add.f32 [tilespmem:s12], [sflag:$0x1], $0x80, s26, s14, $0xb8;
	[tilespmem:$0x16400] =	vst v63  }
0x53: {  	_ =	swait.ge [sflag:s11], $0x2000  }
0x54: {  	[sflag:s11] =	ssyncset.done $0x0  }
0x55: {  	[sflag:s11] =	ssyncadd.s32 $0xFFFFE000  }
0x56: {  	[spmem:s3] =	stream.indirect.scatter.add.f32 [tilespmem:s12], [sflag:$0x1], $0x80, s28, s14, $0xb8;
	[tilespmem:$0x16400] =	vst v63  }
0x57: {  	_ =	swait.ge [sflag:s11], $0x2000  }
0x58: {  	[sflag:s11] =	ssyncset.done $0x0  }
0x59: {  	[sflag:s11] =	ssyncadd.s32 $0xFFFFE000  }
0x5a: {  	[spmem:s3] =	stream.indirect.scatter.add.f32 [tilespmem:s12], [sflag:$0x1], $0x80, s29, s14, $0xb8;
	[tilespmem:$0x16400] =	vst v63  }
0x5b: {  	_ =	swait.ge [sflag:s11], $0x2000  }
0x5c: {  	[sflag:s11] =	ssyncset.done $0x0  }
0x5d: {  	[sflag:s11] =	ssyncadd.s32 $0xFFFFE000  }
0x5e: {  	[spmem:s3] =	stream.indirect.scatter.add.f32 [tilespmem:s12], [sflag:$0x1], $0x80, s30, s14, $0xb8;
	[tilespmem:$0x16400] =	vst v63  }
0x5f: {  	_ =	swait.ge [sflag:s11], $0x2000  }
0x60: {  	s1 =	simm.s32 $0x100;
	s0 =	simm.s32 $0x200;
	[sflag:s11] =	ssyncset.done $0x0  }
.LBB2_2:
0x61: {  	s5 =	sadd.s32 s1, s9  }
0x62: {  	[sflag:s11] =	ssyncadd.s32 $0xFFFFE000;
	s1 =	smov.u32 s0;
	s2 =	sadd.s32 $0x100, s0  }
0x63: {  	[tilespmem:s13], [sflag:$0x1] =	stream.linear.gather [hbm4b:s5+s4], $0x800, $0x38;
	[tilespmem:$0x16400] =	vst v63  }
0x64: {  	p0 =	sne.s32 s0, $0x900;
	_ =	swait.ge [sflag:s11], $0x800  }
0x65: {  	[sflag:s11] =	ssyncset.done $0x0  }
0x66: {  	[sflag:s11] =	ssyncadd.s32 $0xFFFFF800  }
0x67: {  	[spmem:s3] =	stream.indirect.scatter.add.f32 [tilespmem:s12], [sflag:$0x1], $0x80, s13, s14, $0xb8;
	[tilespmem:$0x16400] =	vst v63  }
0x68: {  	_ =	swait.ge [sflag:s11], $0x2000  }
0x69: {  	[sflag:s11] =	ssyncset.done $0x0  }
0x6a: {  	[sflag:s11] =	ssyncadd.s32 $0xFFFFE000  }
0x6b: {  	[spmem:s3] =	stream.indirect.scatter.add.f32 [tilespmem:s12], [sflag:$0x1], $0x80, s15, s14, $0xb8;
	[tilespmem:$0x16400] =	vst v63  }
0x6c: {  	_ =	swait.ge [sflag:s11], $0x2000  }
0x6d: {  	[sflag:s11] =	ssyncset.done $0x0  }
0x6e: {  	[sflag:s11] =	ssyncadd.s32 $0xFFFFE000  }
0x6f: {  	[spmem:s3] =	stream.indirect.scatter.add.f32 [tilespmem:s12], [sflag:$0x1], $0x80, s16, s14, $0xb8;
	[tilespmem:$0x16400] =	vst v63  }
0x70: {  	_ =	swait.ge [sflag:s11], $0x2000  }
0x71: {  	[sflag:s11] =	ssyncset.done $0x0  }
0x72: {  	[sflag:s11] =	ssyncadd.s32 $0xFFFFE000  }
0x73: {  	[spmem:s3] =	stream.indirect.scatter.add.f32 [tilespmem:s12], [sflag:$0x1], $0x80, s17, s14, $0xb8;
	[tilespmem:$0x16400] =	vst v63  }
0x74: {  	_ =	swait.ge [sflag:s11], $0x2000  }
0x75: {  	[sflag:s11] =	ssyncset.done $0x0  }
0x76: {  	[sflag:s11] =	ssyncadd.s32 $0xFFFFE000  }
0x77: {  	[spmem:s3] =	stream.indirect.scatter.add.f32 [tilespmem:s12], [sflag:$0x1], $0x80, s18, s14, $0xb8;
	[tilespmem:$0x16400] =	vst v63  }
0x78: {  	_ =	swait.ge [sflag:s11], $0x2000  }
0x79: {  	[sflag:s11] =	ssyncset.done $0x0  }
0x7a: {  	[sflag:s11] =	ssyncadd.s32 $0xFFFFE000  }
0x7b: {  	[spmem:s3] =	stream.indirect.scatter.add.f32 [tilespmem:s12], [sflag:$0x1], $0x80, s19, s14, $0xb8;
	[tilespmem:$0x16400] =	vst v63  }
0x7c: {  	_ =	swait.ge [sflag:s11], $0x2000  }
0x7d: {  	[sflag:s11] =	ssyncset.done $0x0  }
0x7e: {  	[sflag:s11] =	ssyncadd.s32 $0xFFFFE000  }
0x7f: {  	[spmem:s3] =	stream.indirect.scatter.add.f32 [tilespmem:s12], [sflag:$0x1], $0x80, s20, s14, $0xb8;
	[tilespmem:$0x16400] =	vst v63  }
0x80: {  	_ =	swait.ge [sflag:s11], $0x2000  }
0x81: {  	[sflag:s11] =	ssyncset.done $0x0  }
0x82: {  	[sflag:s11] =	ssyncadd.s32 $0xFFFFE000  }
0x83: {  	[spmem:s3] =	stream.indirect.scatter.add.f32 [tilespmem:s12], [sflag:$0x1], $0x80, s21, s14, $0xb8;
	[tilespmem:$0x16400] =	vst v63  }
0x84: {  	_ =	swait.ge [sflag:s11], $0x2000  }
0x85: {  	[sflag:s11] =	ssyncset.done $0x0  }
0x86: {  	[sflag:s11] =	ssyncadd.s32 $0xFFFFE000  }
0x87: {  	[spmem:s3] =	stream.indirect.scatter.add.f32 [tilespmem:s12], [sflag:$0x1], $0x80, s22, s14, $0xb8;
	[tilespmem:$0x16400] =	vst v63  }
0x88: {  	_ =	swait.ge [sflag:s11], $0x2000  }
0x89: {  	[sflag:s11] =	ssyncset.done $0x0  }
0x8a: {  	[sflag:s11] =	ssyncadd.s32 $0xFFFFE000  }
0x8b: {  	[spmem:s3] =	stream.indirect.scatter.add.f32 [tilespmem:s12], [sflag:$0x1], $0x80, s23, s14, $0xb8;
	[tilespmem:$0x16400] =	vst v63  }
0x8c: {  	_ =	swait.ge [sflag:s11], $0x2000  }
0x8d: {  	[sflag:s11] =	ssyncset.done $0x0  }
0x8e: {  	[sflag:s11] =	ssyncadd.s32 $0xFFFFE000  }
0x8f: {  	[spmem:s3] =	stream.indirect.scatter.add.f32 [tilespmem:s12], [sflag:$0x1], $0x80, s24, s14, $0xb8;
	[tilespmem:$0x16400] =	vst v63  }
0x90: {  	_ =	swait.ge [sflag:s11], $0x2000  }
0x91: {  	[sflag:s11] =	ssyncset.done $0x0  }
0x92: {  	[sflag:s11] =	ssyncadd.s32 $0xFFFFE000  }
0x93: {  	[spmem:s3] =	stream.indirect.scatter.add.f32 [tilespmem:s12], [sflag:$0x1], $0x80, s25, s14, $0xb8;
	[tilespmem:$0x16400] =	vst v63  }
0x94: {  	_ =	swait.ge [sflag:s11], $0x2000  }
0x95: {  	[sflag:s11] =	ssyncset.done $0x0  }
0x96: {  	[sflag:s11] =	ssyncadd.s32 $0xFFFFE000  }
0x97: {  	[spmem:s3] =	stream.indirect.scatter.add.f32 [tilespmem:s12], [sflag:$0x1], $0x80, s26, s14, $0xb8;
	[tilespmem:$0x16400] =	vst v63  }
0x98: {  	_ =	swait.ge [sflag:s11], $0x2000  }
0x99: {  	[sflag:s11] =	ssyncset.done $0x0  }
0x9a: {  	[sflag:s11] =	ssyncadd.s32 $0xFFFFE000  }
0x9b: {  	[spmem:s3] =	stream.indirect.scatter.add.f32 [tilespmem:s12], [sflag:$0x1], $0x80, s28, s14, $0xb8;
	[tilespmem:$0x16400] =	vst v63  }
0x9c: {  	_ =	swait.ge [sflag:s11], $0x2000  }
0x9d: {  	[sflag:s11] =	ssyncset.done $0x0  }
0x9e: {  	[sflag:s11] =	ssyncadd.s32 $0xFFFFE000  }
0x9f: {  	[spmem:s3] =	stream.indirect.scatter.add.f32 [tilespmem:s12], [sflag:$0x1], $0x80, s29, s14, $0xb8;
	[tilespmem:$0x16400] =	vst v63  }
0xa0: {  	_ =	swait.ge [sflag:s11], $0x2000  }
.Ltmp0:
0xa1: {  	[sflag:s11] =	ssyncset.done $0x0;
	(pc) =	sbr.rel @p0 .LBB2_2-.Ltmp0, $4  }
0xa2: {  	[sflag:s11] =	ssyncadd.s32 $0xFFFFE000  }
0xa3: {  	[spmem:s3] =	stream.indirect.scatter.add.f32 [tilespmem:s12], [sflag:$0x1], $0x80, s30, s14, $0xb8;
	[tilespmem:$0x16400] =	vst v63  }
0xa4: {  	_ =	swait.ge [sflag:s11], $0x2000  }
0xa5: {  	s0 =	smov.u32 s2;
	[sflag:s11] =	ssyncset.done $0x0  }
0xa6: {  	s0 =	sadd.s32 s1, s9;
	[sflag:s11] =	ssyncadd.s32 $0xFFFFE000  }
0xa7: {  	[tilespmem:s13], [sflag:$0x1] =	stream.linear.gather [hbm4b:s0+s4], $0x800, $0x38;
	[tilespmem:$0x16400] =	vst v63  }
0xa8: {  	_ =	swait.ge [sflag:s11], $0x800  }
0xa9: {  	[sflag:s11] =	ssyncset.done $0x0  }
0xaa: {  	[sflag:s11] =	ssyncadd.s32 $0xFFFFF800  }
0xab: {  	[spmem:s3] =	stream.indirect.scatter.add.f32 [tilespmem:s12], [sflag:$0x1], $0x80, s13, s14, $0xb8;
	[tilespmem:$0x16400] =	vst v63  }
0xac: {  	_ =	swait.ge [sflag:s11], $0x2000  }
0xad: {  	[sflag:s11] =	ssyncset.done $0x0  }
0xae: {  	[sflag:s11] =	ssyncadd.s32 $0xFFFFE000  }
0xaf: {  	[spmem:s3] =	stream.indirect.scatter.add.f32 [tilespmem:s12], [sflag:$0x1], $0x80, s15, s14, $0xb8;
	[tilespmem:$0x16400] =	vst v63  }
0xb0: {  	_ =	swait.ge [sflag:s11], $0x2000  }
0xb1: {  	[sflag:s11] =	ssyncset.done $0x0  }
0xb2: {  	[sflag:s11] =	ssyncadd.s32 $0xFFFFE000  }
0xb3: {  	[spmem:s3] =	stream.indirect.scatter.add.f32 [tilespmem:s12], [sflag:$0x1], $0x80, s16, s14, $0xb8;
	[tilespmem:$0x16400] =	vst v63  }
0xb4: {  	_ =	swait.ge [sflag:s11], $0x2000  }
0xb5: {  	[sflag:s11] =	ssyncset.done $0x0  }
0xb6: {  	[sflag:s11] =	ssyncadd.s32 $0xFFFFE000  }
0xb7: {  	[spmem:s3] =	stream.indirect.scatter.add.f32 [tilespmem:s12], [sflag:$0x1], $0x80, s17, s14, $0xb8;
	[tilespmem:$0x16400] =	vst v63  }
0xb8: {  	_ =	swait.ge [sflag:s11], $0x2000  }
0xb9: {  	[sflag:s11] =	ssyncset.done $0x0  }
0xba: {  	[sflag:s11] =	ssyncadd.s32 $0xFFFFE000  }
0xbb: {  	[spmem:s3] =	stream.indirect.scatter.add.f32 [tilespmem:s12], [sflag:$0x1], $0x80, s18, s14, $0xb8;
	[tilespmem:$0x16400] =	vst v63  }
0xbc: {  	_ =	swait.ge [sflag:s11], $0x2000  }
0xbd: {  	[sflag:s11] =	ssyncset.done $0x0  }
0xbe: {  	[sflag:s11] =	ssyncadd.s32 $0xFFFFE000  }
0xbf: {  	[spmem:s3] =	stream.indirect.scatter.add.f32 [tilespmem:s12], [sflag:$0x1], $0x80, s19, s14, $0xb8;
	[tilespmem:$0x16400] =	vst v63  }
0xc0: {  	_ =	swait.ge [sflag:s11], $0x2000  }
0xc1: {  	[sflag:s11] =	ssyncset.done $0x0  }
0xc2: {  	[sflag:s11] =	ssyncadd.s32 $0xFFFFE000  }
0xc3: {  	[spmem:s3] =	stream.indirect.scatter.add.f32 [tilespmem:s12], [sflag:$0x1], $0x80, s20, s14, $0xb8;
	[tilespmem:$0x16400] =	vst v63  }
0xc4: {  	_ =	swait.ge [sflag:s11], $0x2000  }
0xc5: {  	[sflag:s11] =	ssyncset.done $0x0  }
0xc6: {  	[sflag:s11] =	ssyncadd.s32 $0xFFFFE000  }
0xc7: {  	[spmem:s3] =	stream.indirect.scatter.add.f32 [tilespmem:s12], [sflag:$0x1], $0x80, s21, s14, $0xb8;
	[tilespmem:$0x16400] =	vst v63  }
0xc8: {  	_ =	swait.ge [sflag:s11], $0x2000  }
0xc9: {  	[sflag:s11] =	ssyncset.done $0x0  }
0xca: {  	[sflag:s11] =	ssyncadd.s32 $0xFFFFE000  }
0xcb: {  	[spmem:s3] =	stream.indirect.scatter.add.f32 [tilespmem:s12], [sflag:$0x1], $0x80, s22, s14, $0xb8;
	[tilespmem:$0x16400] =	vst v63  }
0xcc: {  	_ =	swait.ge [sflag:s11], $0x2000  }
0xcd: {  	[sflag:s11] =	ssyncset.done $0x0  }
0xce: {  	[sflag:s11] =	ssyncadd.s32 $0xFFFFE000  }
0xcf: {  	[spmem:s3] =	stream.indirect.scatter.add.f32 [tilespmem:s12], [sflag:$0x1], $0x80, s23, s14, $0xb8;
	[tilespmem:$0x16400] =	vst v63  }
0xd0: {  	_ =	swait.ge [sflag:s11], $0x2000  }
0xd1: {  	[sflag:s11] =	ssyncset.done $0x0  }
0xd2: {  	[sflag:s11] =	ssyncadd.s32 $0xFFFFE000  }
0xd3: {  	[spmem:s3] =	stream.indirect.scatter.add.f32 [tilespmem:s12], [sflag:$0x1], $0x80, s24, s14, $0xb8;
	[tilespmem:$0x16400] =	vst v63  }
0xd4: {  	_ =	swait.ge [sflag:s11], $0x2000  }
0xd5: {  	[sflag:s11] =	ssyncset.done $0x0  }
0xd6: {  	[sflag:s11] =	ssyncadd.s32 $0xFFFFE000  }
0xd7: {  	[spmem:s3] =	stream.indirect.scatter.add.f32 [tilespmem:s12], [sflag:$0x1], $0x80, s25, s14, $0xb8;
	[tilespmem:$0x16400] =	vst v63  }
0xd8: {  	_ =	swait.ge [sflag:s11], $0x2000  }
0xd9: {  	[sflag:s11] =	ssyncset.done $0x0  }
0xda: {  	[sflag:s11] =	ssyncadd.s32 $0xFFFFE000  }
0xdb: {  	[spmem:s3] =	stream.indirect.scatter.add.f32 [tilespmem:s12], [sflag:$0x1], $0x80, s26, s14, $0xb8;
	[tilespmem:$0x16400] =	vst v63  }
0xdc: {  	_ =	swait.ge [sflag:s11], $0x2000  }
0xdd: {  	[sflag:s11] =	ssyncset.done $0x0  }
0xde: {  	[sflag:s11] =	ssyncadd.s32 $0xFFFFE000  }
0xdf: {  	[spmem:s3] =	stream.indirect.scatter.add.f32 [tilespmem:s12], [sflag:$0x1], $0x80, s28, s14, $0xb8;
	[tilespmem:$0x16400] =	vst v63  }
0xe0: {  	_ =	swait.ge [sflag:s11], $0x2000  }
0xe1: {  	[sflag:s11] =	ssyncset.done $0x0  }
0xe2: {  	[sflag:s11] =	ssyncadd.s32 $0xFFFFE000  }
0xe3: {  	[spmem:s3] =	stream.indirect.scatter.add.f32 [tilespmem:s12], [sflag:$0x1], $0x80, s29, s14, $0xb8;
	[tilespmem:$0x16400] =	vst v63  }
0xe4: {  	_ =	swait.ge [sflag:s11], $0x2000  }
0xe5: {  	[sflag:s11] =	ssyncset.done $0x0  }
0xe6: {  	[sflag:s11] =	ssyncadd.s32 $0xFFFFE000  }
0xe7: {  	[spmem:s3] =	stream.indirect.scatter.add.f32 [tilespmem:s12], [sflag:$0x1], $0x80, s30, s14, $0xb8;
	[tilespmem:$0x16400] =	vst v63  }
0xe8: {  	_ =	swait.ge [sflag:s11], $0x2000  }
0xe9: {  	s31 =	sadd.s32 $0x1, s31;
	[sflag:s11] =	ssyncset.done $0x0  }
0xea: {  	p0 =	sne.s32 s31, s8;
	[sflag:s11] =	ssyncadd.s32 $0xFFFFE000  }
.Ltmp1:
0xeb: {  	[bflag:$0x0] =	sbarrier.arrive $0xFFFF;
	(pc) =	sbr.rel @p0 .LBB2_1-.Ltmp1, $4  }
0xec: {  	[hbm:s7], [sflag:s6] =	dma.local [spmem:s10], $0x2780  }
0xed: {  	_ =	swait.ge [sflag:s11], $0x2780  }
0xee: {  	[sflag:s11] =	ssyncset.done $0x0  }
0xef: {  	[sflag:s11] =	ssyncadd.s32 $0xFFFFD880  }
0xf0: {  	_ =	sfence.sel $0x180000  }
0xf1: {  	[bflag:$0x0] =	sbarrier.arrive $0xFFFF  }
0xf2: {  	_ =	strace $0x90000047  }
0xf3: {  	s0 =	stileid.u32;
	[bflag:$0x2] =	sbarrier.arrive $0xFFFF  }
0xf4: {  	p0 =	sne.s32 s0, $0x0;
	s0 =	rddreg [dreg:$0x3]  }
0xf5: {  	s0 =	sadd.s32 @!p0 $0x100000, s0  }
0xf6: {  	[sflag:s0] =	ssyncadd.tile.s32 @!p0 $0x1;
	_ =	shalt  }
.Lfunc_end2:
_tile_overlayer_lowered:
.L_overlay_start_2:
0xf7: {  	(tag) =	ssettag $0x2  }
0xf8: {  	s0 =	rddreg [dreg:$0x0];
	s2 =	stileid.u32  }
0xf9: {  	s1 =	rddreg [dreg:$0x1];
	p0 =	sne.s32 s2, $0x0  }
0xfa: {  	s3 =	rddreg [dreg:$0x2];
	[bflag:$0x3] =	sbarrier.arrive $0xFFFF;
	s2 =	simm.s32 @!p0 $0x1C01  }
0xfb: {  	[timem:s3], [sflag:s2] =	dma.local @!p0 [hbm:s0], s1  }
0xfc: {  	s0 =	simm.s32 @!p0 $0x1  }
0xfd: {  	_ =	swait.ge @!p0 [sflag:s0], s1  }
0xfe: {  	s1 =	ssub.s32 @!p0 $0x0, s1;
	[sflag:s0] =	ssyncset.done @!p0 $0x0  }
0xff: {  	[sflag:s0] =	ssyncadd.s32 @!p0 s1  }
0x100: {  	[bflag:$0x3] =	sbarrier.arrive $0xFFFF  }
0x101: {  	_ =	shalt  }

</sc_bundles>
